<compile_context>
chip_gen: v7x
topology: tpu7x:2x2x1
jax: 0.10.2.dev20260603
libtpu: 0.0.44.dev20260713+nightly
codegen_flags: <defaults>
</compile_context>

<pallas_src>
import functools

import jax
import jax.numpy as jnp
from jax import lax
from jax.experimental import pallas as pl
from jax.experimental.pallas import tpu as pltpu
from jax.experimental.pallas import tpu_sc as plsc

K_C = 8192
D = 256
K_R = 16
N = 32768


_BK = 512


def _onehot_argmax(scores):
    m = jnp.max(scores, axis=1, keepdims=True)
    eq = scores == m
    col = lax.broadcasted_iota(jnp.int32, scores.shape, 1)
    first = jnp.min(jnp.where(eq, col, K_R), axis=1, keepdims=True)
    return (col == first).astype(jnp.float32)


def _fuse_body(cb_ref, r0_ref, r1_ref, rcb0_ref, rcb1_ref, out_ref):
    oh0 = _onehot_argmax(r0_ref[...])
    oh1 = _onehot_argmax(r1_ref[...])
    e0 = jnp.dot(oh0, rcb0_ref[...], preferred_element_type=jnp.float32)
    e1 = jnp.dot(oh1, rcb1_ref[...], preferred_element_type=jnp.float32)
    out_ref[...] = cb_ref[...] + e0 + e1


def _build_fused(codebook, ridx0, ridx1, cb0, cb1):
    return pl.pallas_call(
        _fuse_body,
        grid=(K_C // _BK,),
        in_specs=[
            pl.BlockSpec((_BK, D), lambda i: (i, 0)),
            pl.BlockSpec((_BK, K_R), lambda i: (i, 0)),
            pl.BlockSpec((_BK, K_R), lambda i: (i, 0)),
            pl.BlockSpec((K_R, D), lambda i: (0, 0)),
            pl.BlockSpec((K_R, D), lambda i: (0, 0)),
        ],
        out_specs=pl.BlockSpec((_BK, D), lambda i: (i, 0)),
        out_shape=jax.ShapeDtypeStruct((K_C, D), jnp.float32),
    )(codebook, ridx0, ridx1, cb0, cb1)



_NC = 2
_NS = 16
_NW = _NC * _NS
_BPW = N // _NW
_CHUNK = 128
_NCHUNK = _BPW // _CHUNK


@functools.lru_cache(maxsize=None)
def _make_gather_kernel():
    @functools.partial(
        pl.kernel,
        out_type=jax.ShapeDtypeStruct((N, D), jnp.float32),
        mesh=plsc.VectorSubcoreMesh(core_axis_name="c", subcore_axis_name="s"),
        scratch_types=[
            pltpu.VMEM((_NCHUNK, _CHUNK), jnp.int32),
            pltpu.VMEM((_CHUNK, D), jnp.float32),
            pltpu.SemaphoreType.DMA,
        ],
    )
    def _gather_kernel(table_hbm, idx_hbm, out_hbm, idx_v, buf, gsem):
        wid = lax.axis_index("s") * _NC + lax.axis_index("c")
        base = wid * _BPW
        pltpu.sync_copy(idx_hbm.at[pl.ds(wid * _NCHUNK, _NCHUNK)], idx_v)
        for c in range(_NCHUNK):
            pltpu.async_copy(table_hbm.at[idx_v.at[c]], buf, gsem).wait()
            pltpu.sync_copy(buf, out_hbm.at[pl.ds(base + c * _CHUNK, _CHUNK)])

    return _gather_kernel




def kernel(coarse_codebook, coarse_indices, residual_cb_0, residual_cb_1,
           residual_idx_0, residual_idx_1):
    fused = _build_fused(coarse_codebook, residual_idx_0, residual_idx_1,
                         residual_cb_0, residual_cb_1)
    idx2d = coarse_indices.reshape(N // _CHUNK, _CHUNK)
    return _make_gather_kernel()(fused, idx2d)

# --- scband reference (transcript-rebuilt; emitter-appended) ---
"""Pipeline reference for scband-residual-vector-quantizer-31147102830878 (READ-ONLY COPY).

The authoritative reference and input builder live on the scoring server;
editing this copy changes nothing except your own understanding.
"""

import jax, jax.numpy as jnp
import numpy as np

K_COARSE = 8192
RANK = 256
NUM_LEVELS = 2
K_RES = 16
N_ENTRIES = 32768


def setup_inputs(seed: int = 0) -> dict:
    key = jax.random.key(seed)
    ks = jax.random.split(key, 7)
    coarse_codebook = jax.random.normal(ks[0], (K_COARSE, RANK), dtype=jnp.float32)
    coarse_indices = jax.random.randint(ks[1], (N_ENTRIES,), 0, K_COARSE, dtype=jnp.int32)
    # learned params (per init_kwargs); residual_idx_* initialized randomly (small)
    # instead of exact zeros to avoid degenerate argmax ties in numeric comparison
    residual_cb_0 = jax.random.normal(ks[2], (K_RES, RANK), dtype=jnp.float32) * 0.01
    residual_cb_1 = jax.random.normal(ks[3], (K_RES, RANK), dtype=jnp.float32) * 0.01
    residual_idx_0 = jax.random.normal(ks[4], (K_COARSE, K_RES), dtype=jnp.float32) * 0.01
    residual_idx_1 = jax.random.normal(ks[5], (K_COARSE, K_RES), dtype=jnp.float32) * 0.01
    return {
        "coarse_codebook": coarse_codebook,
        "coarse_indices": coarse_indices,
        "residual_cb_0": residual_cb_0,
        "residual_cb_1": residual_cb_1,
        "residual_idx_0": residual_idx_0,
        "residual_idx_1": residual_idx_1,
    }


def reference(coarse_codebook, coarse_indices, residual_cb_0, residual_cb_1, residual_idx_0, residual_idx_1):
    # decode_with_residual
    coarse_entries = jnp.take(coarse_codebook, coarse_indices, axis=0)  # [N, rank]
    current = coarse_entries
    for residual_cb, residual_idx in ((residual_cb_0, residual_idx_0), (residual_cb_1, residual_idx_1)):
        residual_scores = jnp.take(residual_idx, coarse_indices, axis=0)  # [N, k_res]
        residual_softmax = jax.nn.softmax(residual_scores, axis=-1)
        residual_indices = jnp.argmax(residual_softmax, axis=-1)  # [N]
        residual_entries = jnp.take(residual_cb, residual_indices, axis=0)  # [N, rank]
        current = current + residual_entries
    return current

if __name__ == "__main__":
    import jax
    _d = setup_inputs()
    print(jax.jit(kernel)(*tuple(_d.values())))

</pallas_src>

<mosaic_0001>
#map = affine_map<(d0, d1) -> (0, 0)>
module attributes {stable_mosaic.version = 14 : i64} {
  func.func @_gather_kernel(%arg0: i32, %arg1: i32, %arg2: memref<8192x256xf32, #tpu.memory_space<hbm>>, %arg3: memref<256x128xi32, #tpu.memory_space<hbm>>, %arg4: memref<32768x256xf32, #tpu.memory_space<hbm>>, %arg5: memref<8x128xi32, #tpu.memory_space<vmem>>, %arg6: memref<128x256xf32, #tpu.memory_space<vmem>>, %arg7: memref<!tpu.dma_semaphore, #tpu.memory_space<semaphore_mem>>) attributes {dimension_semantics = [#tpu.dimension_semantics<core_parallel>, #tpu.dimension_semantics<subcore_parallel>], iteration_bounds = array<i64: 2, 16>, scalar_prefetch = 0 : i64, scratch_operands = 3 : i64, tpu.core_type = #tpu.core_type<sc_vector_subcore>, window_params = [{transform_indices = #map}, {transform_indices = #map}, {transform_indices = #map}]} {
    %mul3A = arith.constant 2 : i32
    %mul3A_0 = arith.muli %arg1, %mul3A : i32
    %add3A = arith.addi %mul3A_0, %arg0 : i32
    %mul3A_1 = arith.constant 1024 : i32
    %mul3A_2 = arith.muli %add3A, %mul3A_1 : i32
    %mul3A_3 = arith.constant 8 : i32
    %mul3A_4 = arith.muli %add3A, %mul3A_3 : i32
    "tpu.region"() ({
      %run_scoped3A = tpu.sem_alloc : memref<!tpu.dma_semaphore, #tpu.memory_space<semaphore_mem>>
      %dma_start3A_131 = arith.constant 0 : i32
      %dma_start3A_132 = tpu.memref_slice %arg3[%mul3A_4, %dma_start3A_131] : memref<256x128xi32, #tpu.memory_space<hbm>> -> memref<8x128xi32, #tpu.memory_space<hbm>>
      %dma_start3A_133 = arith.constant 0 : i32
      %dma_start3A_134 = tpu.memref_slice %arg3[%mul3A_4, %dma_start3A_133] : memref<256x128xi32, #tpu.memory_space<hbm>> -> memref<8x128xi32, #tpu.memory_space<hbm>>
      tpu.enqueue_dma source(%dma_start3A_134 : memref<8x128xi32, #tpu.memory_space<hbm>>) target(%arg5 : memref<8x128xi32, #tpu.memory_space<vmem>>) target_semaphore(%run_scoped3A : memref<!tpu.dma_semaphore, #tpu.memory_space<semaphore_mem>>)
      %dma_wait3A_135 = arith.constant 0 : i32
      %dma_wait3A_136 = tpu.memref_slice %arg3[%mul3A_4, %dma_wait3A_135] : memref<256x128xi32, #tpu.memory_space<hbm>> -> memref<8x128xi32, #tpu.memory_space<hbm>>
      %dma_wait3A_137 = arith.constant 0 : i32
      %dma_wait3A_138 = tpu.memref_slice %arg3[%mul3A_4, %dma_wait3A_137] : memref<256x128xi32, #tpu.memory_space<hbm>> -> memref<8x128xi32, #tpu.memory_space<hbm>>
      tpu.wait_dma2 semaphore(%run_scoped3A : memref<!tpu.dma_semaphore, #tpu.memory_space<semaphore_mem>>) src(%dma_wait3A_138 : memref<8x128xi32, #tpu.memory_space<hbm>>) dst(%arg5 : memref<8x128xi32, #tpu.memory_space<vmem>>)
      tpu.yield
    }) : () -> ()
    %dma_start3A = arith.constant 0 : i32
    %dma_start3A_5 = arith.constant 0 : i32
    %dma_start3A_6 = tpu.memref_slice %arg5[%dma_start3A, %dma_start3A_5] : memref<8x128xi32, #tpu.memory_space<vmem>> -> memref<1x128xi32, #tpu.memory_space<vmem>>
    %dma_start3A_7 = tpu.memref_squeeze %dma_start3A_6 : memref<1x128xi32, #tpu.memory_space<vmem>> -> memref<128xi32, #tpu.memory_space<vmem>>
    %dma_start3A_8 = arith.constant 0 : i32
    %dma_start3A_9 = arith.constant 0 : i32
    %dma_start3A_10 = tpu.memref_slice %arg2[%dma_start3A_8, %dma_start3A_9] : memref<8192x256xf32, #tpu.memory_space<hbm>> -> memref<8192x256xf32, #tpu.memory_space<hbm>>
    tpu.enqueue_indirect_dma source(%dma_start3A_10 : memref<8192x256xf32, #tpu.memory_space<hbm>>) target(%arg6 : memref<128x256xf32, #tpu.memory_space<vmem>>) offsets(%dma_start3A_7 : memref<128xi32, #tpu.memory_space<vmem>>) semaphore(%arg7 : memref<!tpu.dma_semaphore, #tpu.memory_space<semaphore_mem>>)
    %dma_wait3A = arith.constant 0 : i32
    %dma_wait3A_11 = arith.constant 0 : i32
    %dma_wait3A_12 = tpu.memref_slice %arg5[%dma_wait3A, %dma_wait3A_11] : memref<8x128xi32, #tpu.memory_space<vmem>> -> memref<1x128xi32, #tpu.memory_space<vmem>>
    %dma_wait3A_13 = tpu.memref_squeeze %dma_wait3A_12 : memref<1x128xi32, #tpu.memory_space<vmem>> -> memref<128xi32, #tpu.memory_space<vmem>>
    %dma_wait3A_14 = arith.constant 0 : i32
    %dma_wait3A_15 = arith.constant 0 : i32
    %dma_wait3A_16 = tpu.memref_slice %arg2[%dma_wait3A_14, %dma_wait3A_15] : memref<8192x256xf32, #tpu.memory_space<hbm>> -> memref<8192x256xf32, #tpu.memory_space<hbm>>
    tpu.wait_indirect_dma semaphore(%arg7 : memref<!tpu.dma_semaphore, #tpu.memory_space<semaphore_mem>>) src(%dma_wait3A_16 : memref<8192x256xf32, #tpu.memory_space<hbm>>) dst(%arg6 : memref<128x256xf32, #tpu.memory_space<vmem>>)
    %add3A_17 = arith.constant 0 : i32
    %add3A_18 = arith.addi %mul3A_2, %add3A_17 : i32
    "tpu.region"() ({
      %run_scoped3A = tpu.sem_alloc : memref<!tpu.dma_semaphore, #tpu.memory_space<semaphore_mem>>
      %dma_start3A_131 = arith.constant 0 : i32
      %dma_start3A_132 = tpu.memref_slice %arg4[%add3A_18, %dma_start3A_131] : memref<32768x256xf32, #tpu.memory_space<hbm>> -> memref<128x256xf32, #tpu.memory_space<hbm>>
      %dma_start3A_133 = arith.constant 0 : i32
      %dma_start3A_134 = tpu.memref_slice %arg4[%add3A_18, %dma_start3A_133] : memref<32768x256xf32, #tpu.memory_space<hbm>> -> memref<128x256xf32, #tpu.memory_space<hbm>>
      tpu.enqueue_dma source(%arg6 : memref<128x256xf32, #tpu.memory_space<vmem>>) target(%dma_start3A_134 : memref<128x256xf32, #tpu.memory_space<hbm>>) target_semaphore(%run_scoped3A : memref<!tpu.dma_semaphore, #tpu.memory_space<semaphore_mem>>)
      %dma_wait3A_135 = arith.constant 0 : i32
      %dma_wait3A_136 = tpu.memref_slice %arg4[%add3A_18, %dma_wait3A_135] : memref<32768x256xf32, #tpu.memory_space<hbm>> -> memref<128x256xf32, #tpu.memory_space<hbm>>
      %dma_wait3A_137 = arith.constant 0 : i32
      %dma_wait3A_138 = tpu.memref_slice %arg4[%add3A_18, %dma_wait3A_137] : memref<32768x256xf32, #tpu.memory_space<hbm>> -> memref<128x256xf32, #tpu.memory_space<hbm>>
      tpu.wait_dma2 semaphore(%run_scoped3A : memref<!tpu.dma_semaphore, #tpu.memory_space<semaphore_mem>>) src(%arg6 : memref<128x256xf32, #tpu.memory_space<vmem>>) dst(%dma_wait3A_138 : memref<128x256xf32, #tpu.memory_space<hbm>>)
      tpu.yield
    }) : () -> ()
    %dma_start3A_19 = arith.constant 1 : i32
    %dma_start3A_20 = arith.constant 0 : i32
    %dma_start3A_21 = tpu.memref_slice %arg5[%dma_start3A_19, %dma_start3A_20] : memref<8x128xi32, #tpu.memory_space<vmem>> -> memref<1x128xi32, #tpu.memory_space<vmem>>
    %dma_start3A_22 = tpu.memref_squeeze %dma_start3A_21 : memref<1x128xi32, #tpu.memory_space<vmem>> -> memref<128xi32, #tpu.memory_space<vmem>>
    %dma_start3A_23 = arith.constant 0 : i32
    %dma_start3A_24 = arith.constant 0 : i32
    %dma_start3A_25 = tpu.memref_slice %arg2[%dma_start3A_23, %dma_start3A_24] : memref<8192x256xf32, #tpu.memory_space<hbm>> -> memref<8192x256xf32, #tpu.memory_space<hbm>>
    tpu.enqueue_indirect_dma source(%dma_start3A_25 : memref<8192x256xf32, #tpu.memory_space<hbm>>) target(%arg6 : memref<128x256xf32, #tpu.memory_space<vmem>>) offsets(%dma_start3A_22 : memref<128xi32, #tpu.memory_space<vmem>>) semaphore(%arg7 : memref<!tpu.dma_semaphore, #tpu.memory_space<semaphore_mem>>)
    %dma_wait3A_26 = arith.constant 1 : i32
    %dma_wait3A_27 = arith.constant 0 : i32
    %dma_wait3A_28 = tpu.memref_slice %arg5[%dma_wait3A_26, %dma_wait3A_27] : memref<8x128xi32, #tpu.memory_space<vmem>> -> memref<1x128xi32, #tpu.memory_space<vmem>>
    %dma_wait3A_29 = tpu.memref_squeeze %dma_wait3A_28 : memref<1x128xi32, #tpu.memory_space<vmem>> -> memref<128xi32, #tpu.memory_space<vmem>>
    %dma_wait3A_30 = arith.constant 0 : i32
    %dma_wait3A_31 = arith.constant 0 : i32
    %dma_wait3A_32 = tpu.memref_slice %arg2[%dma_wait3A_30, %dma_wait3A_31] : memref<8192x256xf32, #tpu.memory_space<hbm>> -> memref<8192x256xf32, #tpu.memory_space<hbm>>
    tpu.wait_indirect_dma semaphore(%arg7 : memref<!tpu.dma_semaphore, #tpu.memory_space<semaphore_mem>>) src(%dma_wait3A_32 : memref<8192x256xf32, #tpu.memory_space<hbm>>) dst(%arg6 : memref<128x256xf32, #tpu.memory_space<vmem>>)
    %add3A_33 = arith.constant 128 : i32
    %add3A_34 = arith.addi %mul3A_2, %add3A_33 : i32
    "tpu.region"() ({
      %run_scoped3A = tpu.sem_alloc : memref<!tpu.dma_semaphore, #tpu.memory_space<semaphore_mem>>
      %dma_start3A_131 = arith.constant 0 : i32
      %dma_start3A_132 = tpu.memref_slice %arg4[%add3A_34, %dma_start3A_131] : memref<32768x256xf32, #tpu.memory_space<hbm>> -> memref<128x256xf32, #tpu.memory_space<hbm>>
      %dma_start3A_133 = arith.constant 0 : i32
      %dma_start3A_134 = tpu.memref_slice %arg4[%add3A_34, %dma_start3A_133] : memref<32768x256xf32, #tpu.memory_space<hbm>> -> memref<128x256xf32, #tpu.memory_space<hbm>>
      tpu.enqueue_dma source(%arg6 : memref<128x256xf32, #tpu.memory_space<vmem>>) target(%dma_start3A_134 : memref<128x256xf32, #tpu.memory_space<hbm>>) target_semaphore(%run_scoped3A : memref<!tpu.dma_semaphore, #tpu.memory_space<semaphore_mem>>)
      %dma_wait3A_135 = arith.constant 0 : i32
      %dma_wait3A_136 = tpu.memref_slice %arg4[%add3A_34, %dma_wait3A_135] : memref<32768x256xf32, #tpu.memory_space<hbm>> -> memref<128x256xf32, #tpu.memory_space<hbm>>
      %dma_wait3A_137 = arith.constant 0 : i32
      %dma_wait3A_138 = tpu.memref_slice %arg4[%add3A_34, %dma_wait3A_137] : memref<32768x256xf32, #tpu.memory_space<hbm>> -> memref<128x256xf32, #tpu.memory_space<hbm>>
      tpu.wait_dma2 semaphore(%run_scoped3A : memref<!tpu.dma_semaphore, #tpu.memory_space<semaphore_mem>>) src(%arg6 : memref<128x256xf32, #tpu.memory_space<vmem>>) dst(%dma_wait3A_138 : memref<128x256xf32, #tpu.memory_space<hbm>>)
      tpu.yield
    }) : () -> ()
    %dma_start3A_35 = arith.constant 2 : i32
    %dma_start3A_36 = arith.constant 0 : i32
    %dma_start3A_37 = tpu.memref_slice %arg5[%dma_start3A_35, %dma_start3A_36] : memref<8x128xi32, #tpu.memory_space<vmem>> -> memref<1x128xi32, #tpu.memory_space<vmem>>
    %dma_start3A_38 = tpu.memref_squeeze %dma_start3A_37 : memref<1x128xi32, #tpu.memory_space<vmem>> -> memref<128xi32, #tpu.memory_space<vmem>>
    %dma_start3A_39 = arith.constant 0 : i32
    %dma_start3A_40 = arith.constant 0 : i32
    %dma_start3A_41 = tpu.memref_slice %arg2[%dma_start3A_39, %dma_start3A_40] : memref<8192x256xf32, #tpu.memory_space<hbm>> -> memref<8192x256xf32, #tpu.memory_space<hbm>>
    tpu.enqueue_indirect_dma source(%dma_start3A_41 : memref<8192x256xf32, #tpu.memory_space<hbm>>) target(%arg6 : memref<128x256xf32, #tpu.memory_space<vmem>>) offsets(%dma_start3A_38 : memref<128xi32, #tpu.memory_space<vmem>>) semaphore(%arg7 : memref<!tpu.dma_semaphore, #tpu.memory_space<semaphore_mem>>)
    %dma_wait3A_42 = arith.constant 2 : i32
    %dma_wait3A_43 = arith.constant 0 : i32
    %dma_wait3A_44 = tpu.memref_slice %arg5[%dma_wait3A_42, %dma_wait3A_43] : memref<8x128xi32, #tpu.memory_space<vmem>> -> memref<1x128xi32, #tpu.memory_space<vmem>>
    %dma_wait3A_45 = tpu.memref_squeeze %dma_wait3A_44 : memref<1x128xi32, #tpu.memory_space<vmem>> -> memref<128xi32, #tpu.memory_space<vmem>>
    %dma_wait3A_46 = arith.constant 0 : i32
    %dma_wait3A_47 = arith.constant 0 : i32
    %dma_wait3A_48 = tpu.memref_slice %arg2[%dma_wait3A_46, %dma_wait3A_47] : memref<8192x256xf32, #tpu.memory_space<hbm>> -> memref<8192x256xf32, #tpu.memory_space<hbm>>
    tpu.wait_indirect_dma semaphore(%arg7 : memref<!tpu.dma_semaphore, #tpu.memory_space<semaphore_mem>>) src(%dma_wait3A_48 : memref<8192x256xf32, #tpu.memory_space<hbm>>) dst(%arg6 : memref<128x256xf32, #tpu.memory_space<vmem>>)
    %add3A_49 = arith.constant 256 : i32
    %add3A_50 = arith.addi %mul3A_2, %add3A_49 : i32
    "tpu.region"() ({
      %run_scoped3A = tpu.sem_alloc : memref<!tpu.dma_semaphore, #tpu.memory_space<semaphore_mem>>
      %dma_start3A_131 = arith.constant 0 : i32
      %dma_start3A_132 = tpu.memref_slice %arg4[%add3A_50, %dma_start3A_131] : memref<32768x256xf32, #tpu.memory_space<hbm>> -> memref<128x256xf32, #tpu.memory_space<hbm>>
      %dma_start3A_133 = arith.constant 0 : i32
      %dma_start3A_134 = tpu.memref_slice %arg4[%add3A_50, %dma_start3A_133] : memref<32768x256xf32, #tpu.memory_space<hbm>> -> memref<128x256xf32, #tpu.memory_space<hbm>>
      tpu.enqueue_dma source(%arg6 : memref<128x256xf32, #tpu.memory_space<vmem>>) target(%dma_start3A_134 : memref<128x256xf32, #tpu.memory_space<hbm>>) target_semaphore(%run_scoped3A : memref<!tpu.dma_semaphore, #tpu.memory_space<semaphore_mem>>)
      %dma_wait3A_135 = arith.constant 0 : i32
      %dma_wait3A_136 = tpu.memref_slice %arg4[%add3A_50, %dma_wait3A_135] : memref<32768x256xf32, #tpu.memory_space<hbm>> -> memref<128x256xf32, #tpu.memory_space<hbm>>
      %dma_wait3A_137 = arith.constant 0 : i32
      %dma_wait3A_138 = tpu.memref_slice %arg4[%add3A_50, %dma_wait3A_137] : memref<32768x256xf32, #tpu.memory_space<hbm>> -> memref<128x256xf32, #tpu.memory_space<hbm>>
      tpu.wait_dma2 semaphore(%run_scoped3A : memref<!tpu.dma_semaphore, #tpu.memory_space<semaphore_mem>>) src(%arg6 : memref<128x256xf32, #tpu.memory_space<vmem>>) dst(%dma_wait3A_138 : memref<128x256xf32, #tpu.memory_space<hbm>>)
      tpu.yield
    }) : () -> ()
    %dma_start3A_51 = arith.constant 3 : i32
    %dma_start3A_52 = arith.constant 0 : i32
    %dma_start3A_53 = tpu.memref_slice %arg5[%dma_start3A_51, %dma_start3A_52] : memref<8x128xi32, #tpu.memory_space<vmem>> -> memref<1x128xi32, #tpu.memory_space<vmem>>
    %dma_start3A_54 = tpu.memref_squeeze %dma_start3A_53 : memref<1x128xi32, #tpu.memory_space<vmem>> -> memref<128xi32, #tpu.memory_space<vmem>>
    %dma_start3A_55 = arith.constant 0 : i32
    %dma_start3A_56 = arith.constant 0 : i32
    %dma_start3A_57 = tpu.memref_slice %arg2[%dma_start3A_55, %dma_start3A_56] : memref<8192x256xf32, #tpu.memory_space<hbm>> -> memref<8192x256xf32, #tpu.memory_space<hbm>>
    tpu.enqueue_indirect_dma source(%dma_start3A_57 : memref<8192x256xf32, #tpu.memory_space<hbm>>) target(%arg6 : memref<128x256xf32, #tpu.memory_space<vmem>>) offsets(%dma_start3A_54 : memref<128xi32, #tpu.memory_space<vmem>>) semaphore(%arg7 : memref<!tpu.dma_semaphore, #tpu.memory_space<semaphore_mem>>)
    %dma_wait3A_58 = arith.constant 3 : i32
    %dma_wait3A_59 = arith.constant 0 : i32
    %dma_wait3A_60 = tpu.memref_slice %arg5[%dma_wait3A_58, %dma_wait3A_59] : memref<8x128xi32, #tpu.memory_space<vmem>> -> memref<1x128xi32, #tpu.memory_space<vmem>>
    %dma_wait3A_61 = tpu.memref_squeeze %dma_wait3A_60 : memref<1x128xi32, #tpu.memory_space<vmem>> -> memref<128xi32, #tpu.memory_space<vmem>>
    %dma_wait3A_62 = arith.constant 0 : i32
    %dma_wait3A_63 = arith.constant 0 : i32
    %dma_wait3A_64 = tpu.memref_slice %arg2[%dma_wait3A_62, %dma_wait3A_63] : memref<8192x256xf32, #tpu.memory_space<hbm>> -> memref<8192x256xf32, #tpu.memory_space<hbm>>
    tpu.wait_indirect_dma semaphore(%arg7 : memref<!tpu.dma_semaphore, #tpu.memory_space<semaphore_mem>>) src(%dma_wait3A_64 : memref<8192x256xf32, #tpu.memory_space<hbm>>) dst(%arg6 : memref<128x256xf32, #tpu.memory_space<vmem>>)
    %add3A_65 = arith.constant 384 : i32
    %add3A_66 = arith.addi %mul3A_2, %add3A_65 : i32
    "tpu.region"() ({
      %run_scoped3A = tpu.sem_alloc : memref<!tpu.dma_semaphore, #tpu.memory_space<semaphore_mem>>
      %dma_start3A_131 = arith.constant 0 : i32
      %dma_start3A_132 = tpu.memref_slice %arg4[%add3A_66, %dma_start3A_131] : memref<32768x256xf32, #tpu.memory_space<hbm>> -> memref<128x256xf32, #tpu.memory_space<hbm>>
      %dma_start3A_133 = arith.constant 0 : i32
      %dma_start3A_134 = tpu.memref_slice %arg4[%add3A_66, %dma_start3A_133] : memref<32768x256xf32, #tpu.memory_space<hbm>> -> memref<128x256xf32, #tpu.memory_space<hbm>>
      tpu.enqueue_dma source(%arg6 : memref<128x256xf32, #tpu.memory_space<vmem>>) target(%dma_start3A_134 : memref<128x256xf32, #tpu.memory_space<hbm>>) target_semaphore(%run_scoped3A : memref<!tpu.dma_semaphore, #tpu.memory_space<semaphore_mem>>)
      %dma_wait3A_135 = arith.constant 0 : i32
      %dma_wait3A_136 = tpu.memref_slice %arg4[%add3A_66, %dma_wait3A_135] : memref<32768x256xf32, #tpu.memory_space<hbm>> -> memref<128x256xf32, #tpu.memory_space<hbm>>
      %dma_wait3A_137 = arith.constant 0 : i32
      %dma_wait3A_138 = tpu.memref_slice %arg4[%add3A_66, %dma_wait3A_137] : memref<32768x256xf32, #tpu.memory_space<hbm>> -> memref<128x256xf32, #tpu.memory_space<hbm>>
      tpu.wait_dma2 semaphore(%run_scoped3A : memref<!tpu.dma_semaphore, #tpu.memory_space<semaphore_mem>>) src(%arg6 : memref<128x256xf32, #tpu.memory_space<vmem>>) dst(%dma_wait3A_138 : memref<128x256xf32, #tpu.memory_space<hbm>>)
      tpu.yield
    }) : () -> ()
    %dma_start3A_67 = arith.constant 4 : i32
    %dma_start3A_68 = arith.constant 0 : i32
    %dma_start3A_69 = tpu.memref_slice %arg5[%dma_start3A_67, %dma_start3A_68] : memref<8x128xi32, #tpu.memory_space<vmem>> -> memref<1x128xi32, #tpu.memory_space<vmem>>
    %dma_start3A_70 = tpu.memref_squeeze %dma_start3A_69 : memref<1x128xi32, #tpu.memory_space<vmem>> -> memref<128xi32, #tpu.memory_space<vmem>>
    %dma_start3A_71 = arith.constant 0 : i32
    %dma_start3A_72 = arith.constant 0 : i32
    %dma_start3A_73 = tpu.memref_slice %arg2[%dma_start3A_71, %dma_start3A_72] : memref<8192x256xf32, #tpu.memory_space<hbm>> -> memref<8192x256xf32, #tpu.memory_space<hbm>>
    tpu.enqueue_indirect_dma source(%dma_start3A_73 : memref<8192x256xf32, #tpu.memory_space<hbm>>) target(%arg6 : memref<128x256xf32, #tpu.memory_space<vmem>>) offsets(%dma_start3A_70 : memref<128xi32, #tpu.memory_space<vmem>>) semaphore(%arg7 : memref<!tpu.dma_semaphore, #tpu.memory_space<semaphore_mem>>)
    %dma_wait3A_74 = arith.constant 4 : i32
    %dma_wait3A_75 = arith.constant 0 : i32
    %dma_wait3A_76 = tpu.memref_slice %arg5[%dma_wait3A_74, %dma_wait3A_75] : memref<8x128xi32, #tpu.memory_space<vmem>> -> memref<1x128xi32, #tpu.memory_space<vmem>>
    %dma_wait3A_77 = tpu.memref_squeeze %dma_wait3A_76 : memref<1x128xi32, #tpu.memory_space<vmem>> -> memref<128xi32, #tpu.memory_space<vmem>>
    %dma_wait3A_78 = arith.constant 0 : i32
    %dma_wait3A_79 = arith.constant 0 : i32
    %dma_wait3A_80 = tpu.memref_slice %arg2[%dma_wait3A_78, %dma_wait3A_79] : memref<8192x256xf32, #tpu.memory_space<hbm>> -> memref<8192x256xf32, #tpu.memory_space<hbm>>
    tpu.wait_indirect_dma semaphore(%arg7 : memref<!tpu.dma_semaphore, #tpu.memory_space<semaphore_mem>>) src(%dma_wait3A_80 : memref<8192x256xf32, #tpu.memory_space<hbm>>) dst(%arg6 : memref<128x256xf32, #tpu.memory_space<vmem>>)
    %add3A_81 = arith.constant 512 : i32
    %add3A_82 = arith.addi %mul3A_2, %add3A_81 : i32
    "tpu.region"() ({
      %run_scoped3A = tpu.sem_alloc : memref<!tpu.dma_semaphore, #tpu.memory_space<semaphore_mem>>
      %dma_start3A_131 = arith.constant 0 : i32
      %dma_start3A_132 = tpu.memref_slice %arg4[%add3A_82, %dma_start3A_131] : memref<32768x256xf32, #tpu.memory_space<hbm>> -> memref<128x256xf32, #tpu.memory_space<hbm>>
      %dma_start3A_133 = arith.constant 0 : i32
      %dma_start3A_134 = tpu.memref_slice %arg4[%add3A_82, %dma_start3A_133] : memref<32768x256xf32, #tpu.memory_space<hbm>> -> memref<128x256xf32, #tpu.memory_space<hbm>>
      tpu.enqueue_dma source(%arg6 : memref<128x256xf32, #tpu.memory_space<vmem>>) target(%dma_start3A_134 : memref<128x256xf32, #tpu.memory_space<hbm>>) target_semaphore(%run_scoped3A : memref<!tpu.dma_semaphore, #tpu.memory_space<semaphore_mem>>)
      %dma_wait3A_135 = arith.constant 0 : i32
      %dma_wait3A_136 = tpu.memref_slice %arg4[%add3A_82, %dma_wait3A_135] : memref<32768x256xf32, #tpu.memory_space<hbm>> -> memref<128x256xf32, #tpu.memory_space<hbm>>
      %dma_wait3A_137 = arith.constant 0 : i32
      %dma_wait3A_138 = tpu.memref_slice %arg4[%add3A_82, %dma_wait3A_137] : memref<32768x256xf32, #tpu.memory_space<hbm>> -> memref<128x256xf32, #tpu.memory_space<hbm>>
      tpu.wait_dma2 semaphore(%run_scoped3A : memref<!tpu.dma_semaphore, #tpu.memory_space<semaphore_mem>>) src(%arg6 : memref<128x256xf32, #tpu.memory_space<vmem>>) dst(%dma_wait3A_138 : memref<128x256xf32, #tpu.memory_space<hbm>>)
      tpu.yield
    }) : () -> ()
    %dma_start3A_83 = arith.constant 5 : i32
    %dma_start3A_84 = arith.constant 0 : i32
    %dma_start3A_85 = tpu.memref_slice %arg5[%dma_start3A_83, %dma_start3A_84] : memref<8x128xi32, #tpu.memory_space<vmem>> -> memref<1x128xi32, #tpu.memory_space<vmem>>
    %dma_start3A_86 = tpu.memref_squeeze %dma_start3A_85 : memref<1x128xi32, #tpu.memory_space<vmem>> -> memref<128xi32, #tpu.memory_space<vmem>>
    %dma_start3A_87 = arith.constant 0 : i32
    %dma_start3A_88 = arith.constant 0 : i32
    %dma_start3A_89 = tpu.memref_slice %arg2[%dma_start3A_87, %dma_start3A_88] : memref<8192x256xf32, #tpu.memory_space<hbm>> -> memref<8192x256xf32, #tpu.memory_space<hbm>>
    tpu.enqueue_indirect_dma source(%dma_start3A_89 : memref<8192x256xf32, #tpu.memory_space<hbm>>) target(%arg6 : memref<128x256xf32, #tpu.memory_space<vmem>>) offsets(%dma_start3A_86 : memref<128xi32, #tpu.memory_space<vmem>>) semaphore(%arg7 : memref<!tpu.dma_semaphore, #tpu.memory_space<semaphore_mem>>)
    %dma_wait3A_90 = arith.constant 5 : i32
    %dma_wait3A_91 = arith.constant 0 : i32
    %dma_wait3A_92 = tpu.memref_slice %arg5[%dma_wait3A_90, %dma_wait3A_91] : memref<8x128xi32, #tpu.memory_space<vmem>> -> memref<1x128xi32, #tpu.memory_space<vmem>>
    %dma_wait3A_93 = tpu.memref_squeeze %dma_wait3A_92 : memref<1x128xi32, #tpu.memory_space<vmem>> -> memref<128xi32, #tpu.memory_space<vmem>>
    %dma_wait3A_94 = arith.constant 0 : i32
    %dma_wait3A_95 = arith.constant 0 : i32
    %dma_wait3A_96 = tpu.memref_slice %arg2[%dma_wait3A_94, %dma_wait3A_95] : memref<8192x256xf32, #tpu.memory_space<hbm>> -> memref<8192x256xf32, #tpu.memory_space<hbm>>
    tpu.wait_indirect_dma semaphore(%arg7 : memref<!tpu.dma_semaphore, #tpu.memory_space<semaphore_mem>>) src(%dma_wait3A_96 : memref<8192x256xf32, #tpu.memory_space<hbm>>) dst(%arg6 : memref<128x256xf32, #tpu.memory_space<vmem>>)
    %add3A_97 = arith.constant 640 : i32
    %add3A_98 = arith.addi %mul3A_2, %add3A_97 : i32
    "tpu.region"() ({
      %run_scoped3A = tpu.sem_alloc : memref<!tpu.dma_semaphore, #tpu.memory_space<semaphore_mem>>
      %dma_start3A_131 = arith.constant 0 : i32
      %dma_start3A_132 = tpu.memref_slice %arg4[%add3A_98, %dma_start3A_131] : memref<32768x256xf32, #tpu.memory_space<hbm>> -> memref<128x256xf32, #tpu.memory_space<hbm>>
      %dma_start3A_133 = arith.constant 0 : i32
      %dma_start3A_134 = tpu.memref_slice %arg4[%add3A_98, %dma_start3A_133] : memref<32768x256xf32, #tpu.memory_space<hbm>> -> memref<128x256xf32, #tpu.memory_space<hbm>>
      tpu.enqueue_dma source(%arg6 : memref<128x256xf32, #tpu.memory_space<vmem>>) target(%dma_start3A_134 : memref<128x256xf32, #tpu.memory_space<hbm>>) target_semaphore(%run_scoped3A : memref<!tpu.dma_semaphore, #tpu.memory_space<semaphore_mem>>)
      %dma_wait3A_135 = arith.constant 0 : i32
      %dma_wait3A_136 = tpu.memref_slice %arg4[%add3A_98, %dma_wait3A_135] : memref<32768x256xf32, #tpu.memory_space<hbm>> -> memref<128x256xf32, #tpu.memory_space<hbm>>
      %dma_wait3A_137 = arith.constant 0 : i32
      %dma_wait3A_138 = tpu.memref_slice %arg4[%add3A_98, %dma_wait3A_137] : memref<32768x256xf32, #tpu.memory_space<hbm>> -> memref<128x256xf32, #tpu.memory_space<hbm>>
      tpu.wait_dma2 semaphore(%run_scoped3A : memref<!tpu.dma_semaphore, #tpu.memory_space<semaphore_mem>>) src(%arg6 : memref<128x256xf32, #tpu.memory_space<vmem>>) dst(%dma_wait3A_138 : memref<128x256xf32, #tpu.memory_space<hbm>>)
      tpu.yield
    }) : () -> ()
    %dma_start3A_99 = arith.constant 6 : i32
    %dma_start3A_100 = arith.constant 0 : i32
    %dma_start3A_101 = tpu.memref_slice %arg5[%dma_start3A_99, %dma_start3A_100] : memref<8x128xi32, #tpu.memory_space<vmem>> -> memref<1x128xi32, #tpu.memory_space<vmem>>
    %dma_start3A_102 = tpu.memref_squeeze %dma_start3A_101 : memref<1x128xi32, #tpu.memory_space<vmem>> -> memref<128xi32, #tpu.memory_space<vmem>>
    %dma_start3A_103 = arith.constant 0 : i32
    %dma_start3A_104 = arith.constant 0 : i32
    %dma_start3A_105 = tpu.memref_slice %arg2[%dma_start3A_103, %dma_start3A_104] : memref<8192x256xf32, #tpu.memory_space<hbm>> -> memref<8192x256xf32, #tpu.memory_space<hbm>>
    tpu.enqueue_indirect_dma source(%dma_start3A_105 : memref<8192x256xf32, #tpu.memory_space<hbm>>) target(%arg6 : memref<128x256xf32, #tpu.memory_space<vmem>>) offsets(%dma_start3A_102 : memref<128xi32, #tpu.memory_space<vmem>>) semaphore(%arg7 : memref<!tpu.dma_semaphore, #tpu.memory_space<semaphore_mem>>)
    %dma_wait3A_106 = arith.constant 6 : i32
    %dma_wait3A_107 = arith.constant 0 : i32
    %dma_wait3A_108 = tpu.memref_slice %arg5[%dma_wait3A_106, %dma_wait3A_107] : memref<8x128xi32, #tpu.memory_space<vmem>> -> memref<1x128xi32, #tpu.memory_space<vmem>>
    %dma_wait3A_109 = tpu.memref_squeeze %dma_wait3A_108 : memref<1x128xi32, #tpu.memory_space<vmem>> -> memref<128xi32, #tpu.memory_space<vmem>>
    %dma_wait3A_110 = arith.constant 0 : i32
    %dma_wait3A_111 = arith.constant 0 : i32
    %dma_wait3A_112 = tpu.memref_slice %arg2[%dma_wait3A_110, %dma_wait3A_111] : memref<8192x256xf32, #tpu.memory_space<hbm>> -> memref<8192x256xf32, #tpu.memory_space<hbm>>
    tpu.wait_indirect_dma semaphore(%arg7 : memref<!tpu.dma_semaphore, #tpu.memory_space<semaphore_mem>>) src(%dma_wait3A_112 : memref<8192x256xf32, #tpu.memory_space<hbm>>) dst(%arg6 : memref<128x256xf32, #tpu.memory_space<vmem>>)
    %add3A_113 = arith.constant 768 : i32
    %add3A_114 = arith.addi %mul3A_2, %add3A_113 : i32
    "tpu.region"() ({
      %run_scoped3A = tpu.sem_alloc : memref<!tpu.dma_semaphore, #tpu.memory_space<semaphore_mem>>
      %dma_start3A_131 = arith.constant 0 : i32
      %dma_start3A_132 = tpu.memref_slice %arg4[%add3A_114, %dma_start3A_131] : memref<32768x256xf32, #tpu.memory_space<hbm>> -> memref<128x256xf32, #tpu.memory_space<hbm>>
      %dma_start3A_133 = arith.constant 0 : i32
      %dma_start3A_134 = tpu.memref_slice %arg4[%add3A_114, %dma_start3A_133] : memref<32768x256xf32, #tpu.memory_space<hbm>> -> memref<128x256xf32, #tpu.memory_space<hbm>>
      tpu.enqueue_dma source(%arg6 : memref<128x256xf32, #tpu.memory_space<vmem>>) target(%dma_start3A_134 : memref<128x256xf32, #tpu.memory_space<hbm>>) target_semaphore(%run_scoped3A : memref<!tpu.dma_semaphore, #tpu.memory_space<semaphore_mem>>)
      %dma_wait3A_135 = arith.constant 0 : i32
      %dma_wait3A_136 = tpu.memref_slice %arg4[%add3A_114, %dma_wait3A_135] : memref<32768x256xf32, #tpu.memory_space<hbm>> -> memref<128x256xf32, #tpu.memory_space<hbm>>
      %dma_wait3A_137 = arith.constant 0 : i32
      %dma_wait3A_138 = tpu.memref_slice %arg4[%add3A_114, %dma_wait3A_137] : memref<32768x256xf32, #tpu.memory_space<hbm>> -> memref<128x256xf32, #tpu.memory_space<hbm>>
      tpu.wait_dma2 semaphore(%run_scoped3A : memref<!tpu.dma_semaphore, #tpu.memory_space<semaphore_mem>>) src(%arg6 : memref<128x256xf32, #tpu.memory_space<vmem>>) dst(%dma_wait3A_138 : memref<128x256xf32, #tpu.memory_space<hbm>>)
      tpu.yield
    }) : () -> ()
    %dma_start3A_115 = arith.constant 7 : i32
    %dma_start3A_116 = arith.constant 0 : i32
    %dma_start3A_117 = tpu.memref_slice %arg5[%dma_start3A_115, %dma_start3A_116] : memref<8x128xi32, #tpu.memory_space<vmem>> -> memref<1x128xi32, #tpu.memory_space<vmem>>
    %dma_start3A_118 = tpu.memref_squeeze %dma_start3A_117 : memref<1x128xi32, #tpu.memory_space<vmem>> -> memref<128xi32, #tpu.memory_space<vmem>>
    %dma_start3A_119 = arith.constant 0 : i32
    %dma_start3A_120 = arith.constant 0 : i32
    %dma_start3A_121 = tpu.memref_slice %arg2[%dma_start3A_119, %dma_start3A_120] : memref<8192x256xf32, #tpu.memory_space<hbm>> -> memref<8192x256xf32, #tpu.memory_space<hbm>>
    tpu.enqueue_indirect_dma source(%dma_start3A_121 : memref<8192x256xf32, #tpu.memory_space<hbm>>) target(%arg6 : memref<128x256xf32, #tpu.memory_space<vmem>>) offsets(%dma_start3A_118 : memref<128xi32, #tpu.memory_space<vmem>>) semaphore(%arg7 : memref<!tpu.dma_semaphore, #tpu.memory_space<semaphore_mem>>)
    %dma_wait3A_122 = arith.constant 7 : i32
    %dma_wait3A_123 = arith.constant 0 : i32
    %dma_wait3A_124 = tpu.memref_slice %arg5[%dma_wait3A_122, %dma_wait3A_123] : memref<8x128xi32, #tpu.memory_space<vmem>> -> memref<1x128xi32, #tpu.memory_space<vmem>>
    %dma_wait3A_125 = tpu.memref_squeeze %dma_wait3A_124 : memref<1x128xi32, #tpu.memory_space<vmem>> -> memref<128xi32, #tpu.memory_space<vmem>>
    %dma_wait3A_126 = arith.constant 0 : i32
    %dma_wait3A_127 = arith.constant 0 : i32
    %dma_wait3A_128 = tpu.memref_slice %arg2[%dma_wait3A_126, %dma_wait3A_127] : memref<8192x256xf32, #tpu.memory_space<hbm>> -> memref<8192x256xf32, #tpu.memory_space<hbm>>
    tpu.wait_indirect_dma semaphore(%arg7 : memref<!tpu.dma_semaphore, #tpu.memory_space<semaphore_mem>>) src(%dma_wait3A_128 : memref<8192x256xf32, #tpu.memory_space<hbm>>) dst(%arg6 : memref<128x256xf32, #tpu.memory_space<vmem>>)
    %add3A_129 = arith.constant 896 : i32
    %add3A_130 = arith.addi %mul3A_2, %add3A_129 : i32
    "tpu.region"() ({
      %run_scoped3A = tpu.sem_alloc : memref<!tpu.dma_semaphore, #tpu.memory_space<semaphore_mem>>
      %dma_start3A_131 = arith.constant 0 : i32
      %dma_start3A_132 = tpu.memref_slice %arg4[%add3A_130, %dma_start3A_131] : memref<32768x256xf32, #tpu.memory_space<hbm>> -> memref<128x256xf32, #tpu.memory_space<hbm>>
      %dma_start3A_133 = arith.constant 0 : i32
      %dma_start3A_134 = tpu.memref_slice %arg4[%add3A_130, %dma_start3A_133] : memref<32768x256xf32, #tpu.memory_space<hbm>> -> memref<128x256xf32, #tpu.memory_space<hbm>>
      tpu.enqueue_dma source(%arg6 : memref<128x256xf32, #tpu.memory_space<vmem>>) target(%dma_start3A_134 : memref<128x256xf32, #tpu.memory_space<hbm>>) target_semaphore(%run_scoped3A : memref<!tpu.dma_semaphore, #tpu.memory_space<semaphore_mem>>)
      %dma_wait3A_135 = arith.constant 0 : i32
      %dma_wait3A_136 = tpu.memref_slice %arg4[%add3A_130, %dma_wait3A_135] : memref<32768x256xf32, #tpu.memory_space<hbm>> -> memref<128x256xf32, #tpu.memory_space<hbm>>
      %dma_wait3A_137 = arith.constant 0 : i32
      %dma_wait3A_138 = tpu.memref_slice %arg4[%add3A_130, %dma_wait3A_137] : memref<32768x256xf32, #tpu.memory_space<hbm>> -> memref<128x256xf32, #tpu.memory_space<hbm>>
      tpu.wait_dma2 semaphore(%run_scoped3A : memref<!tpu.dma_semaphore, #tpu.memory_space<semaphore_mem>>) src(%arg6 : memref<128x256xf32, #tpu.memory_space<vmem>>) dst(%dma_wait3A_138 : memref<128x256xf32, #tpu.memory_space<hbm>>)
      tpu.yield
    }) : () -> ()
    return
  }
}

module attributes {stable_mosaic.version = 14 : i64} {
  func.func @_fuse_body(%arg0: i32, %arg1: memref<512x256xf32, #tpu.memory_space<vmem>>, %arg2: memref<512x16xf32, #tpu.memory_space<vmem>>, %arg3: memref<512x16xf32, #tpu.memory_space<vmem>>, %arg4: memref<16x256xf32, #tpu.memory_space<vmem>>, %arg5: memref<16x256xf32, #tpu.memory_space<vmem>>, %arg6: memref<512x256xf32, #tpu.memory_space<vmem>>) attributes {dimension_semantics = [#tpu.dimension_semantics<arbitrary>], iteration_bounds = array<i64: 16>, scalar_prefetch = 0 : i64, scratch_operands = 0 : i64, tpu.core_type = #tpu.core_type<tc>, window_params = [{transform_indices = @transform_0, window_bounds = array<i64: 512, 256>}, {transform_indices = @transform_1, window_bounds = array<i64: 512, 16>}, {transform_indices = @transform_2, window_bounds = array<i64: 512, 16>}, {pipeline_mode = #tpu.pipeline_mode<synchronous>, transform_indices = @transform_3, window_bounds = array<i64: 16, 256>}, {pipeline_mode = #tpu.pipeline_mode<synchronous>, transform_indices = @transform_4, window_bounds = array<i64: 16, 256>}, {transform_indices = @transform_5, window_bounds = array<i64: 512, 256>}]} {
    %get3A = arith.constant 0 : index
    %get3A_0 = arith.constant 0 : index
    %get3A_1 = vector.load %arg2[%get3A, %get3A_0] : memref<512x16xf32, #tpu.memory_space<vmem>>, vector<512x16xf32>
    %reduce_max3A = arith.constant dense<0xFF800000> : vector<512xf32>
    %reduce_max3A_2 = vector.multi_reduction <maximumf>, %get3A_1, %reduce_max3A [1] : vector<512x16xf32> to vector<512xf32>
    %broadcast_in_dim3A = vector.shape_cast %reduce_max3A_2 : vector<512xf32> to vector<512x1xf32>
    %eq3A = vector.broadcast %broadcast_in_dim3A : vector<512x1xf32> to vector<512x16xf32>
    %eq3A_3 = arith.cmpf oeq, %get3A_1, %eq3A : vector<512x16xf32>
    %iota3A = tpu.iota {dimensions = array<i32: 1>} : vector<512x16xi32>
    %jit3A = arith.constant 16 : i32
    %broadcast_in_dim3A_4 = vector.broadcast %jit3A : i32 to vector<512x16xi32>
    %select_n3A = arith.select %eq3A_3, %iota3A, %broadcast_in_dim3A_4 : vector<512x16xi1>, vector<512x16xi32>
    %reduce_min3A = arith.constant dense<2147483647> : vector<512xi32>
    %reduce_min3A_5 = vector.multi_reduction <minsi>, %select_n3A, %reduce_min3A [1] : vector<512x16xi32> to vector<512xi32>
    %broadcast_in_dim3A_6 = vector.shape_cast %reduce_min3A_5 : vector<512xi32> to vector<512x1xi32>
    %eq3A_7 = vector.broadcast %broadcast_in_dim3A_6 : vector<512x1xi32> to vector<512x16xi32>
    %eq3A_8 = arith.cmpi eq, %iota3A, %eq3A_7 : vector<512x16xi32>
    %convert_element_type3A = arith.extui %eq3A_8 : vector<512x16xi1> to vector<512x16xi32>
    %convert_element_type3A_9 = arith.sitofp %convert_element_type3A : vector<512x16xi32> to vector<512x16xf32>
    %get3A_10 = arith.constant 0 : index
    %get3A_11 = arith.constant 0 : index
    %get3A_12 = vector.load %arg3[%get3A_10, %get3A_11] : memref<512x16xf32, #tpu.memory_space<vmem>>, vector<512x16xf32>
    %reduce_max3A_13 = arith.constant dense<0xFF800000> : vector<512xf32>
    %reduce_max3A_14 = vector.multi_reduction <maximumf>, %get3A_12, %reduce_max3A_13 [1] : vector<512x16xf32> to vector<512xf32>
    %broadcast_in_dim3A_15 = vector.shape_cast %reduce_max3A_14 : vector<512xf32> to vector<512x1xf32>
    %eq3A_16 = vector.broadcast %broadcast_in_dim3A_15 : vector<512x1xf32> to vector<512x16xf32>
    %eq3A_17 = arith.cmpf oeq, %get3A_12, %eq3A_16 : vector<512x16xf32>
    %iota3A_18 = tpu.iota {dimensions = array<i32: 1>} : vector<512x16xi32>
    %jit3A_19 = arith.constant 16 : i32
    %broadcast_in_dim3A_20 = vector.broadcast %jit3A_19 : i32 to vector<512x16xi32>
    %select_n3A_21 = arith.select %eq3A_17, %iota3A_18, %broadcast_in_dim3A_20 : vector<512x16xi1>, vector<512x16xi32>
    %reduce_min3A_22 = arith.constant dense<2147483647> : vector<512xi32>
    %reduce_min3A_23 = vector.multi_reduction <minsi>, %select_n3A_21, %reduce_min3A_22 [1] : vector<512x16xi32> to vector<512xi32>
    %broadcast_in_dim3A_24 = vector.shape_cast %reduce_min3A_23 : vector<512xi32> to vector<512x1xi32>
    %eq3A_25 = vector.broadcast %broadcast_in_dim3A_24 : vector<512x1xi32> to vector<512x16xi32>
    %eq3A_26 = arith.cmpi eq, %iota3A_18, %eq3A_25 : vector<512x16xi32>
    %convert_element_type3A_27 = arith.extui %eq3A_26 : vector<512x16xi1> to vector<512x16xi32>
    %convert_element_type3A_28 = arith.sitofp %convert_element_type3A_27 : vector<512x16xi32> to vector<512x16xf32>
    %get3A_29 = arith.constant 0 : index
    %get3A_30 = arith.constant 0 : index
    %get3A_31 = vector.load %arg4[%get3A_29, %get3A_30] : memref<16x256xf32, #tpu.memory_space<vmem>>, vector<16x256xf32>
    %dot_general3A = arith.constant dense<0.000000e+00> : vector<512x256xf32>
    %dot_general3A_32 = tpu.matmul %convert_element_type3A_9, %get3A_31, %dot_general3A {dimension_numbers = #tpu.dot_dimension_numbers<[1], [0], [0], [1], [0, 0, 1, 1], [], []>, transpose_lhs_hint = false} : vector<512x16xf32>, vector<16x256xf32>, vector<512x256xf32> -> vector<512x256xf32>
    %get3A_33 = arith.constant 0 : index
    %get3A_34 = arith.constant 0 : index
    %get3A_35 = vector.load %arg5[%get3A_33, %get3A_34] : memref<16x256xf32, #tpu.memory_space<vmem>>, vector<16x256xf32>
    %dot_general3A_36 = arith.constant dense<0.000000e+00> : vector<512x256xf32>
    %dot_general3A_37 = tpu.matmul %convert_element_type3A_28, %get3A_35, %dot_general3A_36 {dimension_numbers = #tpu.dot_dimension_numbers<[1], [0], [0], [1], [0, 0, 1, 1], [], []>, transpose_lhs_hint = false} : vector<512x16xf32>, vector<16x256xf32>, vector<512x256xf32> -> vector<512x256xf32>
    %get3A_38 = arith.constant 0 : index
    %get3A_39 = arith.constant 0 : index
    %get3A_40 = vector.load %arg1[%get3A_38, %get3A_39] : memref<512x256xf32, #tpu.memory_space<vmem>>, vector<512x256xf32>
    %add3A = arith.addf %get3A_40, %dot_general3A_32 : vector<512x256xf32>
    %add3A_41 = arith.addf %add3A, %dot_general3A_37 : vector<512x256xf32>
    %swap3A = arith.constant 0 : index
    %swap3A_42 = arith.constant 0 : index
    %swap3A_43 = vector.load %arg6[%swap3A, %swap3A_42] : memref<512x256xf32, #tpu.memory_space<vmem>>, vector<512x256xf32>
    tpu.vector_store %arg6[%swap3A, %swap3A_42], %add3A_41 {strides = array<i32>} : memref<512x256xf32, #tpu.memory_space<vmem>>, vector<512x256xf32>,
    return
  }
  func.func @transform_0(%arg0: i32) -> (i32, i32) {
    %c0_i32 = arith.constant 0 : i32
    %c0_i32_0 = arith.constant 0 : i32
    return %arg0, %c0_i32 : i32, i32
  }
  func.func @transform_1(%arg0: i32) -> (i32, i32) {
    %c0_i32 = arith.constant 0 : i32
    %c0_i32_0 = arith.constant 0 : i32
    return %arg0, %c0_i32 : i32, i32
  }
  func.func @transform_2(%arg0: i32) -> (i32, i32) {
    %c0_i32 = arith.constant 0 : i32
    %c0_i32_0 = arith.constant 0 : i32
    return %arg0, %c0_i32 : i32, i32
  }
  func.func @transform_3(%arg0: i32) -> (i32, i32) {
    %c0_i32 = arith.constant 0 : i32
    %c0_i32_0 = arith.constant 0 : i32
    %c0_i32_1 = arith.constant 0 : i32
    return %c0_i32, %c0_i32_0 : i32, i32
  }
  func.func @transform_4(%arg0: i32) -> (i32, i32) {
    %c0_i32 = arith.constant 0 : i32
    %c0_i32_0 = arith.constant 0 : i32
    %c0_i32_1 = arith.constant 0 : i32
    return %c0_i32, %c0_i32_0 : i32, i32
  }
  func.func @transform_5(%arg0: i32) -> (i32, i32) {
    %c0_i32 = arith.constant 0 : i32
    %c0_i32_0 = arith.constant 0 : i32
    return %arg0, %c0_i32 : i32, i32
  }
}

</mosaic_0001>

<sc_bundles>
// kernel: kernel.4.cloned.1.call-start
scs
__scs_entry_jumppad:
0x0: {  	(pc) =	sbr.rel $0x88, $3  }
0x1: {  	(tag) =	ssettag $0x0;
	lr =	simm.s32 $0x1  }
0x2: {  	[smem:$0x3F9B] =	sst lr;
	_ =	strace $0xD0000000  }
0x3: {  	_ = 	snop  }
0x4: {  	_ = 	snop  }
0x5: {  	_ = 	snop  }
0x6: {  	_ = 	snop  }
0x7: {  	_ = 	snop  }
__scs_overlays_trampoline_lowered:
0x8: {  	[smem:$0x3FAA] =	sst s0  }
0x9: {  	[smem:$0x3FAB] =	sst s1  }
0xa: {  	[smem:$0x3FAC] =	sst s2  }
0xb: {  	[smem:$0x3FAD] =	sst s3  }
0xc: {  	[smem:$0x3FAE] =	sst s4  }
0xd: {  	[smem:$0x3FAF] =	sst s5  }
0xe: {  	[smem:$0x3FB0] =	sst s6  }
0xf: {  	[smem:$0x3FB1] =	sst s7  }
0x10: {  	[smem:$0x3FB2] =	sst s8  }
0x11: {  	[smem:$0x3FB3] =	sst s9;
	s0 =	simm.s32 @!p0 $0x0  }
0x12: {  	s1 =	sld [smem:$0x3F99];
	s0 =	simm.s32 @p0 $0x1  }
0x13: {  	[smem:$0x3FB4] =	sst s0;
	s0 =	simm.s32 @!p1 $0x0  }
0x14: {  	s2 =	sld [smem:$0x3F98];
	s0 =	simm.s32 @p1 $0x1  }
0x15: {  	[smem:$0x3FB5] =	sst s0;
	s0 =	simm.s32 @!p2 $0x0  }
0x16: {  	s3 =	sld [smem:$0x3FDB];
	s0 =	simm.s32 @p2 $0x1  }
0x17: {  	s4 =	simm.s32 $0x1BF5;
	[smem:$0x3FB7] =	sst s0  }
0x18: {  	s0 =	sld [smem:$0x3F9A];
	_ =	swait.ge [sflag:s4], $0x0  }
0x19: {  	s7 =	sld [smem:$0x3F9B]  }
0x1a: {  	s8 =	sadd.s32 $0xFFFFE003, lr  }
0x1b: {  	s9 =	sadd.s32 $0xFFFFFEF7, lr;
	s5 =	simm.s32 $0xFFFFFFFF;
	p2 =	slt.u32 s8, $0xFFFFF086  }
0x1c: {  	p1 =	slt.u32 s9, $0xF7A;
	s5 =	simm.s32 @!p2 $0x0  }
0x1d: {  	s5 =	simm.s32 @p1 $0x1;
	p0 =	seq.s32 s7, s2  }
0x1e: {  	s7 =	smul.u32 @!p0 $0xF7A, s2;
	p2 =	seq.s32 @!p0 s5, $0x0  }
0x1f: {  	s9 =	smul.u32 $0xF7A, s1;
	s8 =	simm.s32 @!p0 $0x1BF5;
	p2 =	por !p2, p0  }
0x20: {  	[sflag:s8] =	ssyncset.s32 @!p0 $0xFFFFF086;
	s6 =	sadd.s32 @!p0 s3, s7;
	s7 =	simm.s32 @!p0 $0x108  }
0x21: {  	s3 =	sadd.s32 s3, s9;
	s6 =	sadd.s32 @!p0 $0x88, s6;
	s7 =	simm.s32 @p2 $0x1082  }
0x22: {  	[simem:s7], [sflag:s8] =	dma.local @!p0 [hbm:s6], $0xF7A  }
0x23: {  	s9 =	sor.u32 $0xD0000000, s2;
	s6 =	simm.s32 $0x108;
	_ =	swait.ge @!p0 [sflag:s8], $0x0  }
0x24: {  	s3 =	sadd.s32 $0x88, s3;
	s6 =	simm.s32 @!p1 $0x1082;
	[sflag:s4] =	ssyncset.s32 $0xFFFFF086  }
0x25: {  	[simem:s6], [sflag:s4] =	dma.local [hbm:s3], $0xF7A  }
0x26: {  	[smem:$0x3F9B] =	sst s1;
	(tag) =	ssettag s2;
	_ =	strace s9  }
0x27: {  	s1 =	sld [smem:$0x3FAB]  }
0x28: {  	s2 =	sld [smem:$0x3FAC]  }
0x29: {  	s4 =	sld [smem:$0x3FAE]  }
0x2a: {  	p0 =	seq.s32 s5, $0x0;
	s5 =	sld [smem:$0x3FAF]  }
0x2b: {  	s6 =	sld [smem:$0x3FB0]  }
0x2c: {  	s7 =	sld [smem:$0x3FB1]  }
0x2d: {  	s3 =	simm.s32 $0x108;
	s8 =	sld [smem:$0x3FB2]  }
0x2e: {  	s3 =	simm.s32 @!p0 $0x1082;
	s9 =	sld [smem:$0x3FB3]  }
0x2f: {  	lr =	sadd.s32 s0, s3;
	s0 =	sld [smem:$0x3FAA]  }
0x30: {  	s3 =	sld [smem:$0x3FAD]  }
0x31: {  	[smem:$0x3FB6] =	sst s10  }
0x32: {  	s10 =	sld [smem:$0x3FB4];
	_ =	sdelay $0x3  }
0x33: {  	p0 =	seq.s32 s10, $0x1;
	s10 =	sld [smem:$0x3FB6];
	_ =	sdelay $0x3  }
0x34: {  	[smem:$0x3FB6] =	sst s10  }
0x35: {  	s10 =	sld [smem:$0x3FB5];
	_ =	sdelay $0x3  }
0x36: {  	p1 =	seq.s32 s10, $0x1;
	s10 =	sld [smem:$0x3FB6];
	_ =	sdelay $0x3  }
0x37: {  	[smem:$0x3FB6] =	sst s10  }
0x38: {  	s10 =	sld [smem:$0x3FB7]  }
0x39: {  	_ = 	snop;
	(pc) =	sbr.ind lr, $3  }
0x3a: {  	_ = 	snop  }
0x3b: {  	_ = 	snop  }
0x3c: {  	p2 =	seq.s32 s10, $0x1;
	s10 =	sld [smem:$0x3FB6]  }
0x3d: {  	_ =	shalt  }
0x3e: {  	_ =	shalt  }
0x3f: {  	_ =	shalt  }
0x40: {  	_ =	shalt  }
0x41: {  	_ =	shalt  }
0x42: {  	_ =	shalt  }
0x43: {  	_ =	shalt  }
0x44: {  	_ =	shalt  }
0x45: {  	_ =	shalt  }
0x46: {  	_ =	shalt  }
0x47: {  	_ =	shalt  }
0x48: {  	_ =	shalt  }
0x49: {  	_ =	shalt  }
0x4a: {  	_ =	shalt  }
0x4b: {  	_ =	shalt  }
0x4c: {  	_ =	shalt  }
0x4d: {  	_ =	shalt  }
0x4e: {  	_ =	shalt  }
0x4f: {  	_ =	shalt  }
0x50: {  	_ =	shalt  }
0x51: {  	_ =	shalt  }
0x52: {  	_ =	shalt  }
0x53: {  	_ =	shalt  }
0x54: {  	_ =	shalt  }
0x55: {  	_ =	shalt  }
0x56: {  	_ =	shalt  }
0x57: {  	_ =	shalt  }
0x58: {  	_ =	shalt  }
0x59: {  	_ =	shalt  }
0x5a: {  	_ =	shalt  }
0x5b: {  	_ =	shalt  }
0x5c: {  	_ =	shalt  }
0x5d: {  	_ =	shalt  }
0x5e: {  	_ =	shalt  }
0x5f: {  	_ =	shalt  }
0x60: {  	_ =	shalt  }
0x61: {  	_ =	shalt  }
0x62: {  	_ =	shalt  }
0x63: {  	_ =	shalt  }
0x64: {  	_ =	shalt  }
0x65: {  	_ =	shalt  }
0x66: {  	_ =	shalt  }
0x67: {  	_ =	shalt  }
0x68: {  	_ =	shalt  }
0x69: {  	_ =	shalt  }
0x6a: {  	_ =	shalt  }
0x6b: {  	_ =	shalt  }
0x6c: {  	_ =	shalt  }
0x6d: {  	_ =	shalt  }
0x6e: {  	_ =	shalt  }
0x6f: {  	_ =	shalt  }
0x70: {  	_ =	shalt  }
0x71: {  	_ =	shalt  }
0x72: {  	_ =	shalt  }
0x73: {  	_ =	shalt  }
0x74: {  	_ =	shalt  }
0x75: {  	_ =	shalt  }
0x76: {  	_ =	shalt  }
0x77: {  	_ =	shalt  }
0x78: {  	_ =	shalt  }
0x79: {  	_ =	shalt  }
0x7a: {  	_ =	shalt  }
0x7b: {  	_ =	shalt  }
0x7c: {  	_ =	shalt  }
0x7d: {  	_ =	shalt  }
0x7e: {  	_ =	shalt  }
0x7f: {  	_ =	shalt  }
0x80: {  	_ =	shalt  }
0x81: {  	_ =	shalt  }
0x82: {  	_ =	shalt  }
0x83: {  	_ =	shalt  }
0x84: {  	_ =	shalt  }
0x85: {  	_ =	shalt  }
0x86: {  	_ =	shalt  }
0x87: {  	_ =	shalt  }
.Lfunc_end0:
.L_simem_size_0:
called_computation_lowered:
.L_overlay_start_0:
0x88: {  	s2 =	sld [smem:$0x3FD9]  }
0x89: {  	s3 =	sld [smem:$0x3FFE];
	_ =	sdelay $0x1  }
0x8a: {  	s1 =	srdreg.scid  }
0x8b: {  	s0 =	sand.u32 $0x1, s1  }
0x8c: {  	s17 =	sshll.u32 s0, $0xA;
	s2 =	sadd.s32 s3, s2  }
0x8d: {  	s2 =	sadd.s32 s2, s17  }
0x8e: {  	[smem:$0x3FC2] =	sst s2  }
0x8f: {  	_ = 	snop  }
0x90: {  	s2 =	sld [smem:$0x3FC8]  }
0x91: {  	s18 =	sld [smem:$0x3FD0];
	(tm) =	ssettm $0x1  }
0x92: {  	s4 =	sld [smem:$0x3FFB];
	_ =	sdelay $0x3  }
0x93: {  	_ =	strace s4  }
0x94: {  	s4 =	sld [smem:$0x3FFC];
	_ =	sdelay $0x3  }
0x95: {  	_ =	strace s4  }
0x96: {  	s4 =	sld [smem:$0x3FFD];
	_ =	sdelay $0x3  }
0x97: {  	_ =	strace s4  }
0x98: {  	_ =	strace $0x8FFFFFFF  }
0x99: {  	s19 =	sld [smem:$0x3FDB];
	_ =	sdelay $0x1  }
0x9a: {  	s5 =	simm.s32 $_scs_section_size  }
0x9b: {  	s6 =	simm.s32 $_size__tile_overlayer_lowered;
	s7 =	simm.s32 $_tile_overlayer_lowered  }
0x9c: {  	s22 =	simm.s32 $0x1BFF;
	s21 =	sshll.u32 s7, $0x1;
	s4 =	sadd.s32 s5, s19  }
0x9d: {  	s8 =	simm.s32 $0x0;
	s20 =	sshll.u32 s6, $0x1;
	s6 =	sadd.s32 s21, s4  }
0x9e: {  	[timem:s8], [sflag:s22] =	dma.local [hbm:s6], s20  }
0x9f: {  	_ =	swait.ge [sflag:s22], s20  }
0xa0: {  	s5 =	ssub.s32 $0x0, s20;
	[sflag:s22] =	ssyncset.done $0x0  }
0xa1: {  	[sflag:s22] =	ssyncadd.s32 s5;
	_ =	sdelay $0x1  }
0xa2: {  	s23 =	simm.s32 $0x1B8B  }
0xa3: {  	_ =	swait.ge [sflag:s23], $0x1  }
0xa4: {  	[sflag:s23] =	ssyncset.done $0x0  }
0xa5: {  	s25 =	simm.s32 $0x1B8E;
	s24 =	sld [smem:$0x3FFE];
	[sflag:s23] =	ssyncadd.s32 $0xFFFFFFFF  }
0xa6: {  	s26 =	simm.s32 $execute0_lowered;
	[smem:$0x3FD2] =	sst s25  }
0xa7: {  	s6 =	sshll.u32 s26, $0x1;
	_ =	strace $0x80000046;
	[dreg:$0x1] =	wrdreg $0xFFFFFFFF  }
0xa8: {  	s28 =	simm.s32 $_size_execute0_lowered;
	s4 =	sadd.s32 s4, s6;
	[dreg:$0x0] =	wrdreg $0x0  }
0xa9: {  	s6 =	sshll.u32 s28, $0x1;
	[dreg:$0x2] =	wrdreg s4  }
0xaa: {  	[dreg:$0x3] =	wrdreg s6  }
0xab: {  	[dreg:$0x4] =	wrdreg $0xC0  }
0xac: {  	_ =	task [dreg:s8], $0x5FFFF  }
0xad: {  	[dreg:$0x1] =	wrdreg $0xFFFFFFFF  }
0xae: {  	[dreg:$0x0] =	wrdreg $0x60  }
0xaf: {  	[dreg:$0x2] =	wrdreg s24  }
0xb0: {  	[dreg:$0x3] =	wrdreg s2  }
0xb1: {  	[dreg:$0x4] =	wrdreg s18  }
0xb2: {  	[dreg:$0x5] =	wrdreg $0x9  }
0xb3: {  	_ =	task.clear_ibuf [dreg:s8], $0x6FFFF;
	_ =	strace $0x90000046  }
0xb4: {  	s29 =	simm.s32 $0x9;
	_ =	strace $0x80000048  }
0xb5: {  	_ =	swait.ge [sflag:s29], $0x1  }
0xb6: {  	[sflag:s29] =	ssyncadd.s32 $0xFFFFFFFF  }
0xb7: {  	_ =	strace $0x90000048  }
0xb8: {  	_ =	sfence  }
0xb9: {  	s30 =	sld [smem:$0x0];
	_ =	sdelay $0x2  }
0xba: {  	s31 =	sshll.u32 s1, $0xD;
	s1 =	sshrl.u32 s1, $0x2  }
0xbb: {  	s3 =	sand.u32 $0x4000, s31;
	s1 =	sadd.s32 s1, s30  }
0xbc: {  	s0 =	sor.u32 s3, s0;
	s1 =	sshll.u32 s1, $0x11  }
0xbd: {  	s0 =	sor.u32 s1, s0  }
0xbe: {  	s0 =	sadd.s32 $0x8F2B, s0  }
0xbf: {  	[sflag:s0] =	ssyncadd.remote.s32 $0x1  }
0xc0: {  	_ =	sfence.sel $0xFFFF  }
0xc1: {  	[dreg:$0x0] =	wrdreg $0xFFFFFFFF;
	(pc) =	sbr.abs _section_cstart, $3  }
0xc2: {  	[dreg:$0x1] =	wrdreg $0xFFFFFFFF  }
0xc3: {  	_ =	task.clear_ibuf [dreg:s8], $0x2FFFF;
	_ =	strace $0x9FFFFFFF  }
0xc4: {  	(tm) =	ssettm $0x7FFFFFFF  }
0xc5: {  	_ =	shalt  }
tec
execute0_lowered:
.L_overlay_start_1:
0x0: {  	(tag) =	ssettag $0x1  }
0x1: {  	s3 =	rddreg [dreg:$0x0]  }
0x2: {  	s4 =	rddreg [dreg:$0x1]  }
0x3: {  	s5 =	rddreg [dreg:$0x2];
	s2 =	simm.s32 $0x0  }
0x4: {  	s6 =	srdreg.scid;
	s1 =	stileid.u32;
	s13 =	simm.s32 $0x2  }
0x5: {  	s14 =	simm.s32 $0x400;
	s15 =	simm.s32 $0xC00;
	s16 =	simm.s32 $0x1400  }
0x6: {  	s17 =	simm.s32 $0x1C00;
	s18 =	simm.s32 $0x2400;
	s19 =	simm.s32 $0x2C00  }
0x7: {  	s20 =	simm.s32 $0x3400;
	s21 =	simm.s32 $0x3C00;
	s22 =	simm.s32 $0x4400  }
0x8: {  	s23 =	simm.s32 $0x4C00;
	s24 =	simm.s32 $0x5400;
	s28 =	simm.s32 $0x6C00  }
0x9: {  	s29 =	simm.s32 $0x7400;
	s30 =	simm.s32 $0x7C00;
	s31 =	simm.s32 $0x1  }
0xa: {  	[smem:$0x7FF] =	sst s2;
	s6 =	sand.u32 $0x1, s6;
	s7 =	sshll.u32 s1, $0x1  }
0xb: {  	s3 =	sadd.s32 $0xA00, s3;
	s8 =	ssub.s32 $0x2, s6;
	s6 =	sor.u32 s6, s7  }
0xc: {  	_ =	strace $0x80000047;
	s25 =	sshrl.u32 s8, $0x1;
	s9 =	sshll.u32 s6, $0x7  }
0xd: {  	s6 =	sshll.u32 s6, $0xF;
	s12 =	ssub.s32 s8, s25;
	s26 =	sadd.s32 s4, s9  }
0xe: {  	s4 =	sadd.s32 s5, s6;
	s25 =	simm.s32 $0x5C00;
	[dreg:$0x4] =	wrdreg s26  }
0xf: {  	v2 =	vlaneseq.u32;
	s5 =	sadd.s32 $0x1000, s4;
	s6 =	sadd.s32 $0x2000, s4;
	s7 =	sadd.s32 $0x3000, s4  }
0x10: {  	vm0 =	vmmov $0xffff;
	v1 =	vshrl.u32 v2, $0x3;
	s8 =	sadd.s32 $0x4000, s4;
	s9 =	sadd.s32 $0x5000, s4;
	s10 =	sadd.s32 $0x6000, s4  }
0x11: {  	v0 =	vand.u32 $0x7, v2;
	v2 =	vor.u32 $0x8, v2;
	v1 =	vmul.u32 $0x8, v1;
	s11 =	sadd.s32 $0x7000, s4;
	s12 =	smax.u32 s12, $0x1;
	s26 =	simm.s32 $0x6400  }
.LBB2_1:
0x12: {  	s0 =	rddreg [dreg:$0x4]  }
0x13: {  	[tilespmem:s2], [sflag:$0x2] =	stream.linear.gather [hbm4b:s0+s2], $0x400, $0x38;
	[tilespmem:$0x8400] =	vst v63  }
0x14: {  	_ =	swait.ge [sflag:s13], $0x400  }
0x15: {  	[sflag:s13] =	ssyncset.done $0x0  }
0x16: {  	[sflag:s13] =	ssyncadd.s32 $0xFFFFFC00  }
0x17: {  	v3 =	vld [tilespmem:$0x0];
	_ =	sdelay $0x4  }
0x18: {  	v4 =	vshll.u32 v3, $0x1  }
0x19: {  	v3 =	vand.u32 $0x7, v3;
	v4 =	vand.u32 $0xFFFFFFF0, v4  }
0x1a: {  	v3 =	vor.u32 v3, v4  }
0x1b: {  	v4 =	vperm.xlane v3, v0;
	_ =	sdelay $0x1  }
0x1c: {  	v3 =	vperm.xlane v3, v2;
	v4 =	vadd.s32 v1, v4;
	_ =	sdelay $0x1  }
0x1d: {  	v3 =	vadd.s32 v1, v3;
	_ =	sdelay $0x2  }
0x1e: {  	[tilespmem:s14], [sflag:$0x1] =	stream.indirect_vreg.gather [hbm4b:s3+s2], $0x80, v4, vm0, $0xb8;
	[tilespmem:$0x8400] =	vst v63  }
0x1f: {  	_ = 	snop  }
0x20: {  	[tilespmem:s15], [sflag:$0x1] =	stream.indirect_vreg.gather [hbm4b:s3+s2], $0x80, v3, vm0, $0xb8;
	[tilespmem:$0x8400] =	vst v63  }
0x21: {  	v3 =	vld [tilespmem:$0x10];
	_ =	sdelay $0x4  }
0x22: {  	v57 =	vshll.u32 v3, $0x1  }
0x23: {  	v3 =	vand.u32 $0x7, v3;
	v4 =	vand.u32 $0xFFFFFFF0, v57  }
0x24: {  	v3 =	vor.u32 v3, v4  }
0x25: {  	v4 =	vperm.xlane v3, v0;
	_ =	sdelay $0x1  }
0x26: {  	v3 =	vperm.xlane v3, v2;
	v4 =	vadd.s32 v1, v4;
	_ =	sdelay $0x1  }
0x27: {  	v3 =	vadd.s32 v1, v3;
	_ =	sdelay $0x2  }
0x28: {  	[tilespmem:s16], [sflag:$0x1] =	stream.indirect_vreg.gather [hbm4b:s3+s2], $0x80, v4, vm0, $0xb8;
	[tilespmem:$0x8400] =	vst v63  }
0x29: {  	_ = 	snop  }
0x2a: {  	[tilespmem:s17], [sflag:$0x1] =	stream.indirect_vreg.gather [hbm4b:s3+s2], $0x80, v3, vm0, $0xb8;
	[tilespmem:$0x8400] =	vst v63  }
0x2b: {  	v3 =	vld [tilespmem:$0x20];
	_ =	sdelay $0x4  }
0x2c: {  	v58 =	vshll.u32 v3, $0x1  }
0x2d: {  	v3 =	vand.u32 $0x7, v3;
	v4 =	vand.u32 $0xFFFFFFF0, v58  }
0x2e: {  	v3 =	vor.u32 v3, v4  }
0x2f: {  	v4 =	vperm.xlane v3, v0;
	_ =	sdelay $0x1  }
0x30: {  	v3 =	vperm.xlane v3, v2;
	v4 =	vadd.s32 v1, v4;
	_ =	sdelay $0x1  }
0x31: {  	v3 =	vadd.s32 v1, v3;
	_ =	sdelay $0x2  }
0x32: {  	[tilespmem:s18], [sflag:$0x1] =	stream.indirect_vreg.gather [hbm4b:s3+s2], $0x80, v4, vm0, $0xb8;
	[tilespmem:$0x8400] =	vst v63  }
0x33: {  	_ = 	snop  }
0x34: {  	[tilespmem:s19], [sflag:$0x1] =	stream.indirect_vreg.gather [hbm4b:s3+s2], $0x80, v3, vm0, $0xb8;
	[tilespmem:$0x8400] =	vst v63  }
0x35: {  	v3 =	vld [tilespmem:$0x30];
	_ =	sdelay $0x4  }
0x36: {  	v59 =	vshll.u32 v3, $0x1  }
0x37: {  	v3 =	vand.u32 $0x7, v3;
	v4 =	vand.u32 $0xFFFFFFF0, v59  }
0x38: {  	v3 =	vor.u32 v3, v4  }
0x39: {  	v4 =	vperm.xlane v3, v0;
	_ =	sdelay $0x1  }
0x3a: {  	v3 =	vperm.xlane v3, v2;
	v4 =	vadd.s32 v1, v4;
	_ =	sdelay $0x1  }
0x3b: {  	v3 =	vadd.s32 v1, v3;
	_ =	sdelay $0x2  }
0x3c: {  	[tilespmem:s20], [sflag:$0x1] =	stream.indirect_vreg.gather [hbm4b:s3+s2], $0x80, v4, vm0, $0xb8;
	[tilespmem:$0x8400] =	vst v63  }
0x3d: {  	_ = 	snop  }
0x3e: {  	[tilespmem:s21], [sflag:$0x1] =	stream.indirect_vreg.gather [hbm4b:s3+s2], $0x80, v3, vm0, $0xb8;
	[tilespmem:$0x8400] =	vst v63  }
0x3f: {  	v3 =	vld [tilespmem:$0x40];
	_ =	sdelay $0x4  }
0x40: {  	v60 =	vshll.u32 v3, $0x1  }
0x41: {  	v3 =	vand.u32 $0x7, v3;
	v4 =	vand.u32 $0xFFFFFFF0, v60  }
0x42: {  	v3 =	vor.u32 v3, v4  }
0x43: {  	v4 =	vperm.xlane v3, v0;
	_ =	sdelay $0x1  }
0x44: {  	v3 =	vperm.xlane v3, v2;
	v4 =	vadd.s32 v1, v4;
	_ =	sdelay $0x1  }
0x45: {  	v3 =	vadd.s32 v1, v3;
	_ =	sdelay $0x2  }
0x46: {  	[tilespmem:s22], [sflag:$0x1] =	stream.indirect_vreg.gather [hbm4b:s3+s2], $0x80, v4, vm0, $0xb8;
	[tilespmem:$0x8400] =	vst v63  }
0x47: {  	_ = 	snop  }
0x48: {  	[tilespmem:s23], [sflag:$0x1] =	stream.indirect_vreg.gather [hbm4b:s3+s2], $0x80, v3, vm0, $0xb8;
	[tilespmem:$0x8400] =	vst v63  }
0x49: {  	v3 =	vld [tilespmem:$0x50];
	_ =	sdelay $0x4  }
0x4a: {  	v61 =	vshll.u32 v3, $0x1  }
0x4b: {  	v3 =	vand.u32 $0x7, v3;
	v4 =	vand.u32 $0xFFFFFFF0, v61  }
0x4c: {  	v3 =	vor.u32 v3, v4  }
0x4d: {  	v4 =	vperm.xlane v3, v0;
	_ =	sdelay $0x1  }
0x4e: {  	v3 =	vperm.xlane v3, v2;
	v4 =	vadd.s32 v1, v4;
	_ =	sdelay $0x1  }
0x4f: {  	v3 =	vadd.s32 v1, v3;
	_ =	sdelay $0x2  }
0x50: {  	[tilespmem:s24], [sflag:$0x1] =	stream.indirect_vreg.gather [hbm4b:s3+s2], $0x80, v4, vm0, $0xb8;
	[tilespmem:$0x8400] =	vst v63  }
0x51: {  	_ = 	snop  }
0x52: {  	[tilespmem:s25], [sflag:$0x1] =	stream.indirect_vreg.gather [hbm4b:s3+s2], $0x80, v3, vm0, $0xb8;
	[tilespmem:$0x8400] =	vst v63  }
0x53: {  	v3 =	vld [tilespmem:$0x60];
	_ =	sdelay $0x4  }
0x54: {  	v62 =	vshll.u32 v3, $0x1  }
0x55: {  	v3 =	vand.u32 $0x7, v3;
	v4 =	vand.u32 $0xFFFFFFF0, v62  }
0x56: {  	v3 =	vor.u32 v3, v4  }
0x57: {  	v4 =	vperm.xlane v3, v0;
	_ =	sdelay $0x1  }
0x58: {  	v3 =	vperm.xlane v3, v2;
	v4 =	vadd.s32 v1, v4;
	_ =	sdelay $0x1  }
0x59: {  	v3 =	vadd.s32 v1, v3;
	_ =	sdelay $0x2  }
0x5a: {  	[tilespmem:s26], [sflag:$0x1] =	stream.indirect_vreg.gather [hbm4b:s3+s2], $0x80, v4, vm0, $0xb8;
	[tilespmem:$0x8400] =	vst v63  }
0x5b: {  	_ = 	snop  }
0x5c: {  	[tilespmem:s28], [sflag:$0x1] =	stream.indirect_vreg.gather [hbm4b:s3+s2], $0x80, v3, vm0, $0xb8;
	[tilespmem:$0x8400] =	vst v63  }
0x5d: {  	v3 =	vld [tilespmem:$0x70];
	_ =	sdelay $0x4  }
0x5e: {  	v63 =	vshll.u32 v3, $0x1  }
0x5f: {  	v3 =	vand.u32 $0x7, v3;
	v4 =	vand.u32 $0xFFFFFFF0, v63  }
0x60: {  	v3 =	vor.u32 v3, v4  }
0x61: {  	v4 =	vperm.xlane v3, v0;
	_ =	sdelay $0x1  }
0x62: {  	v3 =	vperm.xlane v3, v2;
	v4 =	vadd.s32 v1, v4;
	_ =	sdelay $0x1  }
0x63: {  	v3 =	vadd.s32 v1, v3;
	_ =	sdelay $0x2  }
0x64: {  	[tilespmem:s29], [sflag:$0x1] =	stream.indirect_vreg.gather [hbm4b:s3+s2], $0x80, v4, vm0, $0xb8;
	[tilespmem:$0x8400] =	vst v63  }
0x65: {  	_ = 	snop  }
0x66: {  	[tilespmem:s30], [sflag:$0x1] =	stream.indirect_vreg.gather [hbm4b:s3+s2], $0x80, v3, vm0, $0xb8;
	[tilespmem:$0x8400] =	vst v63  }
0x67: {  	_ =	swait.ge [sflag:s31], $0x8000  }
0x68: {  	[sflag:s31] =	ssyncset.done $0x0  }
0x69: {  	[sflag:s31] =	ssyncadd.s32 $0xFFFF8000  }
0x6a: {  	[hbm4b:s4+s2] =	stream.linear.scatter [tilespmem:s14], [sflag:$0x2], $0x8000, $0x38;
	[tilespmem:$0x8400] =	vst v63  }
0x6b: {  	_ =	swait.ge [sflag:s13], $0x8000  }
0x6c: {  	[sflag:s13] =	ssyncset.done $0x0  }
0x6d: {  	[sflag:s13] =	ssyncadd.s32 $0xFFFF8000  }
0x6e: {  	v3 =	vld [tilespmem:$0x80];
	_ =	sdelay $0x4  }
0x6f: {  	v8 =	vshll.u32 v3, $0x1  }
0x70: {  	v3 =	vand.u32 $0x7, v3;
	v4 =	vand.u32 $0xFFFFFFF0, v8  }
0x71: {  	v3 =	vor.u32 v3, v4  }
0x72: {  	v4 =	vperm.xlane v3, v0;
	_ =	sdelay $0x1  }
0x73: {  	v3 =	vperm.xlane v3, v2;
	v4 =	vadd.s32 v1, v4;
	_ =	sdelay $0x1  }
0x74: {  	v3 =	vadd.s32 v1, v3;
	_ =	sdelay $0x2  }
0x75: {  	[tilespmem:s14], [sflag:$0x1] =	stream.indirect_vreg.gather [hbm4b:s3+s2], $0x80, v4, vm0, $0xb8;
	[tilespmem:$0x8400] =	vst v63  }
0x76: {  	_ = 	snop  }
0x77: {  	[tilespmem:s15], [sflag:$0x1] =	stream.indirect_vreg.gather [hbm4b:s3+s2], $0x80, v3, vm0, $0xb8;
	[tilespmem:$0x8400] =	vst v63  }
0x78: {  	v3 =	vld [tilespmem:$0x90];
	_ =	sdelay $0x4  }
0x79: {  	v9 =	vshll.u32 v3, $0x1  }
0x7a: {  	v3 =	vand.u32 $0x7, v3;
	v4 =	vand.u32 $0xFFFFFFF0, v9  }
0x7b: {  	v3 =	vor.u32 v3, v4  }
0x7c: {  	v4 =	vperm.xlane v3, v0;
	_ =	sdelay $0x1  }
0x7d: {  	v3 =	vperm.xlane v3, v2;
	v4 =	vadd.s32 v1, v4;
	_ =	sdelay $0x1  }
0x7e: {  	v3 =	vadd.s32 v1, v3;
	_ =	sdelay $0x2  }
0x7f: {  	[tilespmem:s16], [sflag:$0x1] =	stream.indirect_vreg.gather [hbm4b:s3+s2], $0x80, v4, vm0, $0xb8;
	[tilespmem:$0x8400] =	vst v63  }
0x80: {  	_ = 	snop  }
0x81: {  	[tilespmem:s17], [sflag:$0x1] =	stream.indirect_vreg.gather [hbm4b:s3+s2], $0x80, v3, vm0, $0xb8;
	[tilespmem:$0x8400] =	vst v63  }
0x82: {  	v3 =	vld [tilespmem:$0xA0];
	_ =	sdelay $0x4  }
0x83: {  	v10 =	vshll.u32 v3, $0x1  }
0x84: {  	v3 =	vand.u32 $0x7, v3;
	v4 =	vand.u32 $0xFFFFFFF0, v10  }
0x85: {  	v3 =	vor.u32 v3, v4  }
0x86: {  	v4 =	vperm.xlane v3, v0;
	_ =	sdelay $0x1  }
0x87: {  	v3 =	vperm.xlane v3, v2;
	v4 =	vadd.s32 v1, v4;
	_ =	sdelay $0x1  }
0x88: {  	v3 =	vadd.s32 v1, v3;
	_ =	sdelay $0x2  }
0x89: {  	[tilespmem:s18], [sflag:$0x1] =	stream.indirect_vreg.gather [hbm4b:s3+s2], $0x80, v4, vm0, $0xb8;
	[tilespmem:$0x8400] =	vst v63  }
0x8a: {  	_ = 	snop  }
0x8b: {  	[tilespmem:s19], [sflag:$0x1] =	stream.indirect_vreg.gather [hbm4b:s3+s2], $0x80, v3, vm0, $0xb8;
	[tilespmem:$0x8400] =	vst v63  }
0x8c: {  	v3 =	vld [tilespmem:$0xB0];
	_ =	sdelay $0x4  }
0x8d: {  	v11 =	vshll.u32 v3, $0x1  }
0x8e: {  	v3 =	vand.u32 $0x7, v3;
	v4 =	vand.u32 $0xFFFFFFF0, v11  }
0x8f: {  	v3 =	vor.u32 v3, v4  }
0x90: {  	v4 =	vperm.xlane v3, v0;
	_ =	sdelay $0x1  }
0x91: {  	v3 =	vperm.xlane v3, v2;
	v4 =	vadd.s32 v1, v4;
	_ =	sdelay $0x1  }
0x92: {  	v3 =	vadd.s32 v1, v3;
	_ =	sdelay $0x2  }
0x93: {  	[tilespmem:s20], [sflag:$0x1] =	stream.indirect_vreg.gather [hbm4b:s3+s2], $0x80, v4, vm0, $0xb8;
	[tilespmem:$0x8400] =	vst v63  }
0x94: {  	_ = 	snop  }
0x95: {  	[tilespmem:s21], [sflag:$0x1] =	stream.indirect_vreg.gather [hbm4b:s3+s2], $0x80, v3, vm0, $0xb8;
	[tilespmem:$0x8400] =	vst v63  }
0x96: {  	v3 =	vld [tilespmem:$0xC0];
	_ =	sdelay $0x4  }
0x97: {  	v12 =	vshll.u32 v3, $0x1  }
0x98: {  	v3 =	vand.u32 $0x7, v3;
	v4 =	vand.u32 $0xFFFFFFF0, v12  }
0x99: {  	v3 =	vor.u32 v3, v4  }
0x9a: {  	v4 =	vperm.xlane v3, v0;
	_ =	sdelay $0x1  }
0x9b: {  	v3 =	vperm.xlane v3, v2;
	v4 =	vadd.s32 v1, v4;
	_ =	sdelay $0x1  }
0x9c: {  	v3 =	vadd.s32 v1, v3;
	_ =	sdelay $0x2  }
0x9d: {  	[tilespmem:s22], [sflag:$0x1] =	stream.indirect_vreg.gather [hbm4b:s3+s2], $0x80, v4, vm0, $0xb8;
	[tilespmem:$0x8400] =	vst v63  }
0x9e: {  	_ = 	snop  }
0x9f: {  	[tilespmem:s23], [sflag:$0x1] =	stream.indirect_vreg.gather [hbm4b:s3+s2], $0x80, v3, vm0, $0xb8;
	[tilespmem:$0x8400] =	vst v63  }
0xa0: {  	v3 =	vld [tilespmem:$0xD0];
	_ =	sdelay $0x4  }
0xa1: {  	v13 =	vshll.u32 v3, $0x1  }
0xa2: {  	v3 =	vand.u32 $0x7, v3;
	v4 =	vand.u32 $0xFFFFFFF0, v13  }
0xa3: {  	v3 =	vor.u32 v3, v4  }
0xa4: {  	v4 =	vperm.xlane v3, v0;
	_ =	sdelay $0x1  }
0xa5: {  	v3 =	vperm.xlane v3, v2;
	v4 =	vadd.s32 v1, v4;
	_ =	sdelay $0x1  }
0xa6: {  	v3 =	vadd.s32 v1, v3;
	_ =	sdelay $0x2  }
0xa7: {  	[tilespmem:s24], [sflag:$0x1] =	stream.indirect_vreg.gather [hbm4b:s3+s2], $0x80, v4, vm0, $0xb8;
	[tilespmem:$0x8400] =	vst v63  }
0xa8: {  	_ = 	snop  }
0xa9: {  	[tilespmem:s25], [sflag:$0x1] =	stream.indirect_vreg.gather [hbm4b:s3+s2], $0x80, v3, vm0, $0xb8;
	[tilespmem:$0x8400] =	vst v63  }
0xaa: {  	v3 =	vld [tilespmem:$0xE0];
	_ =	sdelay $0x4  }
0xab: {  	v14 =	vshll.u32 v3, $0x1  }
0xac: {  	v3 =	vand.u32 $0x7, v3;
	v4 =	vand.u32 $0xFFFFFFF0, v14  }
0xad: {  	v3 =	vor.u32 v3, v4  }
0xae: {  	v4 =	vperm.xlane v3, v0;
	_ =	sdelay $0x1  }
0xaf: {  	v3 =	vperm.xlane v3, v2;
	v4 =	vadd.s32 v1, v4;
	_ =	sdelay $0x1  }
0xb0: {  	v3 =	vadd.s32 v1, v3;
	_ =	sdelay $0x2  }
0xb1: {  	[tilespmem:s26], [sflag:$0x1] =	stream.indirect_vreg.gather [hbm4b:s3+s2], $0x80, v4, vm0, $0xb8;
	[tilespmem:$0x8400] =	vst v63  }
0xb2: {  	_ = 	snop  }
0xb3: {  	[tilespmem:s28], [sflag:$0x1] =	stream.indirect_vreg.gather [hbm4b:s3+s2], $0x80, v3, vm0, $0xb8;
	[tilespmem:$0x8400] =	vst v63  }
0xb4: {  	v3 =	vld [tilespmem:$0xF0];
	_ =	sdelay $0x4  }
0xb5: {  	v15 =	vshll.u32 v3, $0x1  }
0xb6: {  	v3 =	vand.u32 $0x7, v3;
	v4 =	vand.u32 $0xFFFFFFF0, v15  }
0xb7: {  	v3 =	vor.u32 v3, v4  }
0xb8: {  	v4 =	vperm.xlane v3, v0;
	_ =	sdelay $0x1  }
0xb9: {  	v3 =	vperm.xlane v3, v2;
	v4 =	vadd.s32 v1, v4;
	_ =	sdelay $0x1  }
0xba: {  	v3 =	vadd.s32 v1, v3;
	_ =	sdelay $0x2  }
0xbb: {  	[tilespmem:s29], [sflag:$0x1] =	stream.indirect_vreg.gather [hbm4b:s3+s2], $0x80, v4, vm0, $0xb8;
	[tilespmem:$0x8400] =	vst v63  }
0xbc: {  	_ = 	snop  }
0xbd: {  	[tilespmem:s30], [sflag:$0x1] =	stream.indirect_vreg.gather [hbm4b:s3+s2], $0x80, v3, vm0, $0xb8;
	[tilespmem:$0x8400] =	vst v63  }
0xbe: {  	_ =	swait.ge [sflag:s31], $0x8000  }
0xbf: {  	[sflag:s31] =	ssyncset.done $0x0  }
0xc0: {  	[sflag:s31] =	ssyncadd.s32 $0xFFFF8000  }
0xc1: {  	[hbm4b:s5+s2] =	stream.linear.scatter [tilespmem:s14], [sflag:$0x2], $0x8000, $0x38;
	[tilespmem:$0x8400] =	vst v63  }
0xc2: {  	_ =	swait.ge [sflag:s13], $0x8000  }
0xc3: {  	[sflag:s13] =	ssyncset.done $0x0  }
0xc4: {  	[sflag:s13] =	ssyncadd.s32 $0xFFFF8000  }
0xc5: {  	v3 =	vld [tilespmem:$0x100];
	_ =	sdelay $0x4  }
0xc6: {  	v16 =	vshll.u32 v3, $0x1  }
0xc7: {  	v3 =	vand.u32 $0x7, v3;
	v4 =	vand.u32 $0xFFFFFFF0, v16  }
0xc8: {  	v3 =	vor.u32 v3, v4  }
0xc9: {  	v4 =	vperm.xlane v3, v0;
	_ =	sdelay $0x1  }
0xca: {  	v3 =	vperm.xlane v3, v2;
	v4 =	vadd.s32 v1, v4;
	_ =	sdelay $0x1  }
0xcb: {  	v3 =	vadd.s32 v1, v3;
	_ =	sdelay $0x2  }
0xcc: {  	[tilespmem:s14], [sflag:$0x1] =	stream.indirect_vreg.gather [hbm4b:s3+s2], $0x80, v4, vm0, $0xb8;
	[tilespmem:$0x8400] =	vst v63  }
0xcd: {  	_ = 	snop  }
0xce: {  	[tilespmem:s15], [sflag:$0x1] =	stream.indirect_vreg.gather [hbm4b:s3+s2], $0x80, v3, vm0, $0xb8;
	[tilespmem:$0x8400] =	vst v63  }
0xcf: {  	v3 =	vld [tilespmem:$0x110];
	_ =	sdelay $0x4  }
0xd0: {  	v17 =	vshll.u32 v3, $0x1  }
0xd1: {  	v3 =	vand.u32 $0x7, v3;
	v4 =	vand.u32 $0xFFFFFFF0, v17  }
0xd2: {  	v3 =	vor.u32 v3, v4  }
0xd3: {  	v4 =	vperm.xlane v3, v0;
	_ =	sdelay $0x1  }
0xd4: {  	v3 =	vperm.xlane v3, v2;
	v4 =	vadd.s32 v1, v4;
	_ =	sdelay $0x1  }
0xd5: {  	v3 =	vadd.s32 v1, v3;
	_ =	sdelay $0x2  }
0xd6: {  	[tilespmem:s16], [sflag:$0x1] =	stream.indirect_vreg.gather [hbm4b:s3+s2], $0x80, v4, vm0, $0xb8;
	[tilespmem:$0x8400] =	vst v63  }
0xd7: {  	_ = 	snop  }
0xd8: {  	[tilespmem:s17], [sflag:$0x1] =	stream.indirect_vreg.gather [hbm4b:s3+s2], $0x80, v3, vm0, $0xb8;
	[tilespmem:$0x8400] =	vst v63  }
0xd9: {  	v3 =	vld [tilespmem:$0x120];
	_ =	sdelay $0x4  }
0xda: {  	v18 =	vshll.u32 v3, $0x1  }
0xdb: {  	v3 =	vand.u32 $0x7, v3;
	v4 =	vand.u32 $0xFFFFFFF0, v18  }
0xdc: {  	v3 =	vor.u32 v3, v4  }
0xdd: {  	v4 =	vperm.xlane v3, v0;
	_ =	sdelay $0x1  }
0xde: {  	v3 =	vperm.xlane v3, v2;
	v4 =	vadd.s32 v1, v4;
	_ =	sdelay $0x1  }
0xdf: {  	v3 =	vadd.s32 v1, v3;
	_ =	sdelay $0x2  }
0xe0: {  	[tilespmem:s18], [sflag:$0x1] =	stream.indirect_vreg.gather [hbm4b:s3+s2], $0x80, v4, vm0, $0xb8;
	[tilespmem:$0x8400] =	vst v63  }
0xe1: {  	_ = 	snop  }
0xe2: {  	[tilespmem:s19], [sflag:$0x1] =	stream.indirect_vreg.gather [hbm4b:s3+s2], $0x80, v3, vm0, $0xb8;
	[tilespmem:$0x8400] =	vst v63  }
0xe3: {  	v3 =	vld [tilespmem:$0x130];
	_ =	sdelay $0x4  }
0xe4: {  	v19 =	vshll.u32 v3, $0x1  }
0xe5: {  	v3 =	vand.u32 $0x7, v3;
	v4 =	vand.u32 $0xFFFFFFF0, v19  }
0xe6: {  	v3 =	vor.u32 v3, v4  }
0xe7: {  	v4 =	vperm.xlane v3, v0;
	_ =	sdelay $0x1  }
0xe8: {  	v3 =	vperm.xlane v3, v2;
	v4 =	vadd.s32 v1, v4;
	_ =	sdelay $0x1  }
0xe9: {  	v3 =	vadd.s32 v1, v3;
	_ =	sdelay $0x2  }
0xea: {  	[tilespmem:s20], [sflag:$0x1] =	stream.indirect_vreg.gather [hbm4b:s3+s2], $0x80, v4, vm0, $0xb8;
	[tilespmem:$0x8400] =	vst v63  }
0xeb: {  	_ = 	snop  }
0xec: {  	[tilespmem:s21], [sflag:$0x1] =	stream.indirect_vreg.gather [hbm4b:s3+s2], $0x80, v3, vm0, $0xb8;
	[tilespmem:$0x8400] =	vst v63  }
0xed: {  	v3 =	vld [tilespmem:$0x140];
	_ =	sdelay $0x4  }
0xee: {  	v20 =	vshll.u32 v3, $0x1  }
0xef: {  	v3 =	vand.u32 $0x7, v3;
	v4 =	vand.u32 $0xFFFFFFF0, v20  }
0xf0: {  	v3 =	vor.u32 v3, v4  }
0xf1: {  	v4 =	vperm.xlane v3, v0;
	_ =	sdelay $0x1  }
0xf2: {  	v3 =	vperm.xlane v3, v2;
	v4 =	vadd.s32 v1, v4;
	_ =	sdelay $0x1  }
0xf3: {  	v3 =	vadd.s32 v1, v3;
	_ =	sdelay $0x2  }
0xf4: {  	[tilespmem:s22], [sflag:$0x1] =	stream.indirect_vreg.gather [hbm4b:s3+s2], $0x80, v4, vm0, $0xb8;
	[tilespmem:$0x8400] =	vst v63  }
0xf5: {  	_ = 	snop  }
0xf6: {  	[tilespmem:s23], [sflag:$0x1] =	stream.indirect_vreg.gather [hbm4b:s3+s2], $0x80, v3, vm0, $0xb8;
	[tilespmem:$0x8400] =	vst v63  }
0xf7: {  	v3 =	vld [tilespmem:$0x150];
	_ =	sdelay $0x4  }
0xf8: {  	v21 =	vshll.u32 v3, $0x1  }
0xf9: {  	v3 =	vand.u32 $0x7, v3;
	v4 =	vand.u32 $0xFFFFFFF0, v21  }
0xfa: {  	v3 =	vor.u32 v3, v4  }
0xfb: {  	v4 =	vperm.xlane v3, v0;
	_ =	sdelay $0x1  }
0xfc: {  	v3 =	vperm.xlane v3, v2;
	v4 =	vadd.s32 v1, v4;
	_ =	sdelay $0x1  }
0xfd: {  	v3 =	vadd.s32 v1, v3;
	_ =	sdelay $0x2  }
0xfe: {  	[tilespmem:s24], [sflag:$0x1] =	stream.indirect_vreg.gather [hbm4b:s3+s2], $0x80, v4, vm0, $0xb8;
	[tilespmem:$0x8400] =	vst v63  }
0xff: {  	_ = 	snop  }
0x100: {  	[tilespmem:s25], [sflag:$0x1] =	stream.indirect_vreg.gather [hbm4b:s3+s2], $0x80, v3, vm0, $0xb8;
	[tilespmem:$0x8400] =	vst v63  }
0x101: {  	v3 =	vld [tilespmem:$0x160];
	_ =	sdelay $0x4  }
0x102: {  	v22 =	vshll.u32 v3, $0x1  }
0x103: {  	v3 =	vand.u32 $0x7, v3;
	v4 =	vand.u32 $0xFFFFFFF0, v22  }
0x104: {  	v3 =	vor.u32 v3, v4  }
0x105: {  	v4 =	vperm.xlane v3, v0;
	_ =	sdelay $0x1  }
0x106: {  	v3 =	vperm.xlane v3, v2;
	v4 =	vadd.s32 v1, v4;
	_ =	sdelay $0x1  }
0x107: {  	v3 =	vadd.s32 v1, v3;
	_ =	sdelay $0x2  }
0x108: {  	[tilespmem:s26], [sflag:$0x1] =	stream.indirect_vreg.gather [hbm4b:s3+s2], $0x80, v4, vm0, $0xb8;
	[tilespmem:$0x8400] =	vst v63  }
0x109: {  	_ = 	snop  }
0x10a: {  	[tilespmem:s28], [sflag:$0x1] =	stream.indirect_vreg.gather [hbm4b:s3+s2], $0x80, v3, vm0, $0xb8;
	[tilespmem:$0x8400] =	vst v63  }
0x10b: {  	v3 =	vld [tilespmem:$0x170];
	_ =	sdelay $0x4  }
0x10c: {  	v23 =	vshll.u32 v3, $0x1  }
0x10d: {  	v3 =	vand.u32 $0x7, v3;
	v4 =	vand.u32 $0xFFFFFFF0, v23  }
0x10e: {  	v3 =	vor.u32 v3, v4  }
0x10f: {  	v4 =	vperm.xlane v3, v0;
	_ =	sdelay $0x1  }
0x110: {  	v3 =	vperm.xlane v3, v2;
	v4 =	vadd.s32 v1, v4;
	_ =	sdelay $0x1  }
0x111: {  	v3 =	vadd.s32 v1, v3;
	_ =	sdelay $0x2  }
0x112: {  	[tilespmem:s29], [sflag:$0x1] =	stream.indirect_vreg.gather [hbm4b:s3+s2], $0x80, v4, vm0, $0xb8;
	[tilespmem:$0x8400] =	vst v63  }
0x113: {  	_ = 	snop  }
0x114: {  	[tilespmem:s30], [sflag:$0x1] =	stream.indirect_vreg.gather [hbm4b:s3+s2], $0x80, v3, vm0, $0xb8;
	[tilespmem:$0x8400] =	vst v63  }
0x115: {  	_ =	swait.ge [sflag:s31], $0x8000  }
0x116: {  	[sflag:s31] =	ssyncset.done $0x0  }
0x117: {  	[sflag:s31] =	ssyncadd.s32 $0xFFFF8000  }
0x118: {  	[hbm4b:s6+s2] =	stream.linear.scatter [tilespmem:s14], [sflag:$0x2], $0x8000, $0x38;
	[tilespmem:$0x8400] =	vst v63  }
0x119: {  	_ =	swait.ge [sflag:s13], $0x8000  }
0x11a: {  	[sflag:s13] =	ssyncset.done $0x0  }
0x11b: {  	[sflag:s13] =	ssyncadd.s32 $0xFFFF8000  }
0x11c: {  	v3 =	vld [tilespmem:$0x180];
	_ =	sdelay $0x4  }
0x11d: {  	v24 =	vshll.u32 v3, $0x1  }
0x11e: {  	v3 =	vand.u32 $0x7, v3;
	v4 =	vand.u32 $0xFFFFFFF0, v24  }
0x11f: {  	v3 =	vor.u32 v3, v4  }
0x120: {  	v4 =	vperm.xlane v3, v0;
	_ =	sdelay $0x1  }
0x121: {  	v3 =	vperm.xlane v3, v2;
	v4 =	vadd.s32 v1, v4;
	_ =	sdelay $0x1  }
0x122: {  	v3 =	vadd.s32 v1, v3;
	_ =	sdelay $0x2  }
0x123: {  	[tilespmem:s14], [sflag:$0x1] =	stream.indirect_vreg.gather [hbm4b:s3+s2], $0x80, v4, vm0, $0xb8;
	[tilespmem:$0x8400] =	vst v63  }
0x124: {  	_ = 	snop  }
0x125: {  	[tilespmem:s15], [sflag:$0x1] =	stream.indirect_vreg.gather [hbm4b:s3+s2], $0x80, v3, vm0, $0xb8;
	[tilespmem:$0x8400] =	vst v63  }
0x126: {  	v3 =	vld [tilespmem:$0x190];
	_ =	sdelay $0x4  }
0x127: {  	v25 =	vshll.u32 v3, $0x1  }
0x128: {  	v3 =	vand.u32 $0x7, v3;
	v4 =	vand.u32 $0xFFFFFFF0, v25  }
0x129: {  	v3 =	vor.u32 v3, v4  }
0x12a: {  	v4 =	vperm.xlane v3, v0;
	_ =	sdelay $0x1  }
0x12b: {  	v3 =	vperm.xlane v3, v2;
	v4 =	vadd.s32 v1, v4;
	_ =	sdelay $0x1  }
0x12c: {  	v3 =	vadd.s32 v1, v3;
	_ =	sdelay $0x2  }
0x12d: {  	[tilespmem:s16], [sflag:$0x1] =	stream.indirect_vreg.gather [hbm4b:s3+s2], $0x80, v4, vm0, $0xb8;
	[tilespmem:$0x8400] =	vst v63  }
0x12e: {  	_ = 	snop  }
0x12f: {  	[tilespmem:s17], [sflag:$0x1] =	stream.indirect_vreg.gather [hbm4b:s3+s2], $0x80, v3, vm0, $0xb8;
	[tilespmem:$0x8400] =	vst v63  }
0x130: {  	v3 =	vld [tilespmem:$0x1A0];
	_ =	sdelay $0x4  }
0x131: {  	v26 =	vshll.u32 v3, $0x1  }
0x132: {  	v3 =	vand.u32 $0x7, v3;
	v4 =	vand.u32 $0xFFFFFFF0, v26  }
0x133: {  	v3 =	vor.u32 v3, v4  }
0x134: {  	v4 =	vperm.xlane v3, v0;
	_ =	sdelay $0x1  }
0x135: {  	v3 =	vperm.xlane v3, v2;
	v4 =	vadd.s32 v1, v4;
	_ =	sdelay $0x1  }
0x136: {  	v3 =	vadd.s32 v1, v3;
	_ =	sdelay $0x2  }
0x137: {  	[tilespmem:s18], [sflag:$0x1] =	stream.indirect_vreg.gather [hbm4b:s3+s2], $0x80, v4, vm0, $0xb8;
	[tilespmem:$0x8400] =	vst v63  }
0x138: {  	_ = 	snop  }
0x139: {  	[tilespmem:s19], [sflag:$0x1] =	stream.indirect_vreg.gather [hbm4b:s3+s2], $0x80, v3, vm0, $0xb8;
	[tilespmem:$0x8400] =	vst v63  }
0x13a: {  	v3 =	vld [tilespmem:$0x1B0];
	_ =	sdelay $0x4  }
0x13b: {  	v27 =	vshll.u32 v3, $0x1  }
0x13c: {  	v3 =	vand.u32 $0x7, v3;
	v4 =	vand.u32 $0xFFFFFFF0, v27  }
0x13d: {  	v3 =	vor.u32 v3, v4  }
0x13e: {  	v4 =	vperm.xlane v3, v0;
	_ =	sdelay $0x1  }
0x13f: {  	v3 =	vperm.xlane v3, v2;
	v4 =	vadd.s32 v1, v4;
	_ =	sdelay $0x1  }
0x140: {  	v3 =	vadd.s32 v1, v3;
	_ =	sdelay $0x2  }
0x141: {  	[tilespmem:s20], [sflag:$0x1] =	stream.indirect_vreg.gather [hbm4b:s3+s2], $0x80, v4, vm0, $0xb8;
	[tilespmem:$0x8400] =	vst v63  }
0x142: {  	_ = 	snop  }
0x143: {  	[tilespmem:s21], [sflag:$0x1] =	stream.indirect_vreg.gather [hbm4b:s3+s2], $0x80, v3, vm0, $0xb8;
	[tilespmem:$0x8400] =	vst v63  }
0x144: {  	v3 =	vld [tilespmem:$0x1C0];
	_ =	sdelay $0x4  }
0x145: {  	v28 =	vshll.u32 v3, $0x1  }
0x146: {  	v3 =	vand.u32 $0x7, v3;
	v4 =	vand.u32 $0xFFFFFFF0, v28  }
0x147: {  	v3 =	vor.u32 v3, v4  }
0x148: {  	v4 =	vperm.xlane v3, v0;
	_ =	sdelay $0x1  }
0x149: {  	v3 =	vperm.xlane v3, v2;
	v4 =	vadd.s32 v1, v4;
	_ =	sdelay $0x1  }
0x14a: {  	v3 =	vadd.s32 v1, v3;
	_ =	sdelay $0x2  }
0x14b: {  	[tilespmem:s22], [sflag:$0x1] =	stream.indirect_vreg.gather [hbm4b:s3+s2], $0x80, v4, vm0, $0xb8;
	[tilespmem:$0x8400] =	vst v63  }
0x14c: {  	_ = 	snop  }
0x14d: {  	[tilespmem:s23], [sflag:$0x1] =	stream.indirect_vreg.gather [hbm4b:s3+s2], $0x80, v3, vm0, $0xb8;
	[tilespmem:$0x8400] =	vst v63  }
0x14e: {  	v3 =	vld [tilespmem:$0x1D0];
	_ =	sdelay $0x4  }
0x14f: {  	v29 =	vshll.u32 v3, $0x1  }
0x150: {  	v3 =	vand.u32 $0x7, v3;
	v4 =	vand.u32 $0xFFFFFFF0, v29  }
0x151: {  	v3 =	vor.u32 v3, v4  }
0x152: {  	v4 =	vperm.xlane v3, v0;
	_ =	sdelay $0x1  }
0x153: {  	v3 =	vperm.xlane v3, v2;
	v4 =	vadd.s32 v1, v4;
	_ =	sdelay $0x1  }
0x154: {  	v3 =	vadd.s32 v1, v3;
	_ =	sdelay $0x2  }
0x155: {  	[tilespmem:s24], [sflag:$0x1] =	stream.indirect_vreg.gather [hbm4b:s3+s2], $0x80, v4, vm0, $0xb8;
	[tilespmem:$0x8400] =	vst v63  }
0x156: {  	_ = 	snop  }
0x157: {  	[tilespmem:s25], [sflag:$0x1] =	stream.indirect_vreg.gather [hbm4b:s3+s2], $0x80, v3, vm0, $0xb8;
	[tilespmem:$0x8400] =	vst v63  }
0x158: {  	v3 =	vld [tilespmem:$0x1E0];
	_ =	sdelay $0x4  }
0x159: {  	v30 =	vshll.u32 v3, $0x1  }
0x15a: {  	v3 =	vand.u32 $0x7, v3;
	v4 =	vand.u32 $0xFFFFFFF0, v30  }
0x15b: {  	v3 =	vor.u32 v3, v4  }
0x15c: {  	v4 =	vperm.xlane v3, v0;
	_ =	sdelay $0x1  }
0x15d: {  	v3 =	vperm.xlane v3, v2;
	v4 =	vadd.s32 v1, v4;
	_ =	sdelay $0x1  }
0x15e: {  	v3 =	vadd.s32 v1, v3;
	_ =	sdelay $0x2  }
0x15f: {  	[tilespmem:s26], [sflag:$0x1] =	stream.indirect_vreg.gather [hbm4b:s3+s2], $0x80, v4, vm0, $0xb8;
	[tilespmem:$0x8400] =	vst v63  }
0x160: {  	_ = 	snop  }
0x161: {  	[tilespmem:s28], [sflag:$0x1] =	stream.indirect_vreg.gather [hbm4b:s3+s2], $0x80, v3, vm0, $0xb8;
	[tilespmem:$0x8400] =	vst v63  }
0x162: {  	v3 =	vld [tilespmem:$0x1F0];
	_ =	sdelay $0x4  }
0x163: {  	v31 =	vshll.u32 v3, $0x1  }
0x164: {  	v3 =	vand.u32 $0x7, v3;
	v4 =	vand.u32 $0xFFFFFFF0, v31  }
0x165: {  	v3 =	vor.u32 v3, v4  }
0x166: {  	v4 =	vperm.xlane v3, v0;
	_ =	sdelay $0x1  }
0x167: {  	v3 =	vperm.xlane v3, v2;
	v4 =	vadd.s32 v1, v4;
	_ =	sdelay $0x1  }
0x168: {  	v3 =	vadd.s32 v1, v3;
	_ =	sdelay $0x2  }
0x169: {  	[tilespmem:s29], [sflag:$0x1] =	stream.indirect_vreg.gather [hbm4b:s3+s2], $0x80, v4, vm0, $0xb8;
	[tilespmem:$0x8400] =	vst v63  }
0x16a: {  	_ = 	snop  }
0x16b: {  	[tilespmem:s30], [sflag:$0x1] =	stream.indirect_vreg.gather [hbm4b:s3+s2], $0x80, v3, vm0, $0xb8;
	[tilespmem:$0x8400] =	vst v63  }
0x16c: {  	_ =	swait.ge [sflag:s31], $0x8000  }
0x16d: {  	[sflag:s31] =	ssyncset.done $0x0  }
0x16e: {  	[sflag:s31] =	ssyncadd.s32 $0xFFFF8000  }
0x16f: {  	[hbm4b:s7+s2] =	stream.linear.scatter [tilespmem:s14], [sflag:$0x2], $0x8000, $0x38;
	[tilespmem:$0x8400] =	vst v63  }
0x170: {  	_ =	swait.ge [sflag:s13], $0x8000  }
0x171: {  	[sflag:s13] =	ssyncset.done $0x0  }
0x172: {  	[sflag:s13] =	ssyncadd.s32 $0xFFFF8000  }
0x173: {  	v3 =	vld [tilespmem:$0x200];
	_ =	sdelay $0x4  }
0x174: {  	v32 =	vshll.u32 v3, $0x1  }
0x175: {  	v3 =	vand.u32 $0x7, v3;
	v4 =	vand.u32 $0xFFFFFFF0, v32  }
0x176: {  	v3 =	vor.u32 v3, v4  }
0x177: {  	v4 =	vperm.xlane v3, v0;
	_ =	sdelay $0x1  }
0x178: {  	v3 =	vperm.xlane v3, v2;
	v4 =	vadd.s32 v1, v4;
	_ =	sdelay $0x1  }
0x179: {  	v3 =	vadd.s32 v1, v3;
	_ =	sdelay $0x2  }
0x17a: {  	[tilespmem:s14], [sflag:$0x1] =	stream.indirect_vreg.gather [hbm4b:s3+s2], $0x80, v4, vm0, $0xb8;
	[tilespmem:$0x8400] =	vst v63  }
0x17b: {  	_ = 	snop  }
0x17c: {  	[tilespmem:s15], [sflag:$0x1] =	stream.indirect_vreg.gather [hbm4b:s3+s2], $0x80, v3, vm0, $0xb8;
	[tilespmem:$0x8400] =	vst v63  }
0x17d: {  	v3 =	vld [tilespmem:$0x210];
	_ =	sdelay $0x4  }
0x17e: {  	v33 =	vshll.u32 v3, $0x1  }
0x17f: {  	v3 =	vand.u32 $0x7, v3;
	v4 =	vand.u32 $0xFFFFFFF0, v33  }
0x180: {  	v3 =	vor.u32 v3, v4  }
0x181: {  	v4 =	vperm.xlane v3, v0;
	_ =	sdelay $0x1  }
0x182: {  	v3 =	vperm.xlane v3, v2;
	v4 =	vadd.s32 v1, v4;
	_ =	sdelay $0x1  }
0x183: {  	v3 =	vadd.s32 v1, v3;
	_ =	sdelay $0x2  }
0x184: {  	[tilespmem:s16], [sflag:$0x1] =	stream.indirect_vreg.gather [hbm4b:s3+s2], $0x80, v4, vm0, $0xb8;
	[tilespmem:$0x8400] =	vst v63  }
0x185: {  	_ = 	snop  }
0x186: {  	[tilespmem:s17], [sflag:$0x1] =	stream.indirect_vreg.gather [hbm4b:s3+s2], $0x80, v3, vm0, $0xb8;
	[tilespmem:$0x8400] =	vst v63  }
0x187: {  	v3 =	vld [tilespmem:$0x220];
	_ =	sdelay $0x4  }
0x188: {  	v34 =	vshll.u32 v3, $0x1  }
0x189: {  	v3 =	vand.u32 $0x7, v3;
	v4 =	vand.u32 $0xFFFFFFF0, v34  }
0x18a: {  	v3 =	vor.u32 v3, v4  }
0x18b: {  	v4 =	vperm.xlane v3, v0;
	_ =	sdelay $0x1  }
0x18c: {  	v3 =	vperm.xlane v3, v2;
	v4 =	vadd.s32 v1, v4;
	_ =	sdelay $0x1  }
0x18d: {  	v3 =	vadd.s32 v1, v3;
	_ =	sdelay $0x2  }
0x18e: {  	[tilespmem:s18], [sflag:$0x1] =	stream.indirect_vreg.gather [hbm4b:s3+s2], $0x80, v4, vm0, $0xb8;
	[tilespmem:$0x8400] =	vst v63  }
0x18f: {  	_ = 	snop  }
0x190: {  	[tilespmem:s19], [sflag:$0x1] =	stream.indirect_vreg.gather [hbm4b:s3+s2], $0x80, v3, vm0, $0xb8;
	[tilespmem:$0x8400] =	vst v63  }
0x191: {  	v3 =	vld [tilespmem:$0x230];
	_ =	sdelay $0x4  }
0x192: {  	v35 =	vshll.u32 v3, $0x1  }
0x193: {  	v3 =	vand.u32 $0x7, v3;
	v4 =	vand.u32 $0xFFFFFFF0, v35  }
0x194: {  	v3 =	vor.u32 v3, v4  }
0x195: {  	v4 =	vperm.xlane v3, v0;
	_ =	sdelay $0x1  }
0x196: {  	v3 =	vperm.xlane v3, v2;
	v4 =	vadd.s32 v1, v4;
	_ =	sdelay $0x1  }
0x197: {  	v3 =	vadd.s32 v1, v3;
	_ =	sdelay $0x2  }
0x198: {  	[tilespmem:s20], [sflag:$0x1] =	stream.indirect_vreg.gather [hbm4b:s3+s2], $0x80, v4, vm0, $0xb8;
	[tilespmem:$0x8400] =	vst v63  }
0x199: {  	_ = 	snop  }
0x19a: {  	[tilespmem:s21], [sflag:$0x1] =	stream.indirect_vreg.gather [hbm4b:s3+s2], $0x80, v3, vm0, $0xb8;
	[tilespmem:$0x8400] =	vst v63  }
0x19b: {  	v3 =	vld [tilespmem:$0x240];
	_ =	sdelay $0x4  }
0x19c: {  	v36 =	vshll.u32 v3, $0x1  }
0x19d: {  	v3 =	vand.u32 $0x7, v3;
	v4 =	vand.u32 $0xFFFFFFF0, v36  }
0x19e: {  	v3 =	vor.u32 v3, v4  }
0x19f: {  	v4 =	vperm.xlane v3, v0;
	_ =	sdelay $0x1  }
0x1a0: {  	v3 =	vperm.xlane v3, v2;
	v4 =	vadd.s32 v1, v4;
	_ =	sdelay $0x1  }
0x1a1: {  	v3 =	vadd.s32 v1, v3;
	_ =	sdelay $0x2  }
0x1a2: {  	[tilespmem:s22], [sflag:$0x1] =	stream.indirect_vreg.gather [hbm4b:s3+s2], $0x80, v4, vm0, $0xb8;
	[tilespmem:$0x8400] =	vst v63  }
0x1a3: {  	_ = 	snop  }
0x1a4: {  	[tilespmem:s23], [sflag:$0x1] =	stream.indirect_vreg.gather [hbm4b:s3+s2], $0x80, v3, vm0, $0xb8;
	[tilespmem:$0x8400] =	vst v63  }
0x1a5: {  	v3 =	vld [tilespmem:$0x250];
	_ =	sdelay $0x4  }
0x1a6: {  	v37 =	vshll.u32 v3, $0x1  }
0x1a7: {  	v3 =	vand.u32 $0x7, v3;
	v4 =	vand.u32 $0xFFFFFFF0, v37  }
0x1a8: {  	v3 =	vor.u32 v3, v4  }
0x1a9: {  	v4 =	vperm.xlane v3, v0;
	_ =	sdelay $0x1  }
0x1aa: {  	v3 =	vperm.xlane v3, v2;
	v4 =	vadd.s32 v1, v4;
	_ =	sdelay $0x1  }
0x1ab: {  	v3 =	vadd.s32 v1, v3;
	_ =	sdelay $0x2  }
0x1ac: {  	[tilespmem:s24], [sflag:$0x1] =	stream.indirect_vreg.gather [hbm4b:s3+s2], $0x80, v4, vm0, $0xb8;
	[tilespmem:$0x8400] =	vst v63  }
0x1ad: {  	_ = 	snop  }
0x1ae: {  	[tilespmem:s25], [sflag:$0x1] =	stream.indirect_vreg.gather [hbm4b:s3+s2], $0x80, v3, vm0, $0xb8;
	[tilespmem:$0x8400] =	vst v63  }
0x1af: {  	v3 =	vld [tilespmem:$0x260];
	_ =	sdelay $0x4  }
0x1b0: {  	v38 =	vshll.u32 v3, $0x1  }
0x1b1: {  	v3 =	vand.u32 $0x7, v3;
	v4 =	vand.u32 $0xFFFFFFF0, v38  }
0x1b2: {  	v3 =	vor.u32 v3, v4  }
0x1b3: {  	v4 =	vperm.xlane v3, v0;
	_ =	sdelay $0x1  }
0x1b4: {  	v3 =	vperm.xlane v3, v2;
	v4 =	vadd.s32 v1, v4;
	_ =	sdelay $0x1  }
0x1b5: {  	v3 =	vadd.s32 v1, v3;
	_ =	sdelay $0x2  }
0x1b6: {  	[tilespmem:s26], [sflag:$0x1] =	stream.indirect_vreg.gather [hbm4b:s3+s2], $0x80, v4, vm0, $0xb8;
	[tilespmem:$0x8400] =	vst v63  }
0x1b7: {  	_ = 	snop  }
0x1b8: {  	[tilespmem:s28], [sflag:$0x1] =	stream.indirect_vreg.gather [hbm4b:s3+s2], $0x80, v3, vm0, $0xb8;
	[tilespmem:$0x8400] =	vst v63  }
0x1b9: {  	v3 =	vld [tilespmem:$0x270];
	_ =	sdelay $0x4  }
0x1ba: {  	v39 =	vshll.u32 v3, $0x1  }
0x1bb: {  	v3 =	vand.u32 $0x7, v3;
	v4 =	vand.u32 $0xFFFFFFF0, v39  }
0x1bc: {  	v3 =	vor.u32 v3, v4  }
0x1bd: {  	v4 =	vperm.xlane v3, v0;
	_ =	sdelay $0x1  }
0x1be: {  	v3 =	vperm.xlane v3, v2;
	v4 =	vadd.s32 v1, v4;
	_ =	sdelay $0x1  }
0x1bf: {  	v3 =	vadd.s32 v1, v3;
	_ =	sdelay $0x2  }
0x1c0: {  	[tilespmem:s29], [sflag:$0x1] =	stream.indirect_vreg.gather [hbm4b:s3+s2], $0x80, v4, vm0, $0xb8;
	[tilespmem:$0x8400] =	vst v63  }
0x1c1: {  	_ = 	snop  }
0x1c2: {  	[tilespmem:s30], [sflag:$0x1] =	stream.indirect_vreg.gather [hbm4b:s3+s2], $0x80, v3, vm0, $0xb8;
	[tilespmem:$0x8400] =	vst v63  }
0x1c3: {  	_ =	swait.ge [sflag:s31], $0x8000  }
0x1c4: {  	[sflag:s31] =	ssyncset.done $0x0  }
0x1c5: {  	[sflag:s31] =	ssyncadd.s32 $0xFFFF8000  }
0x1c6: {  	[hbm4b:s8+s2] =	stream.linear.scatter [tilespmem:s14], [sflag:$0x2], $0x8000, $0x38;
	[tilespmem:$0x8400] =	vst v63  }
0x1c7: {  	_ =	swait.ge [sflag:s13], $0x8000  }
0x1c8: {  	[sflag:s13] =	ssyncset.done $0x0  }
0x1c9: {  	[sflag:s13] =	ssyncadd.s32 $0xFFFF8000  }
0x1ca: {  	v3 =	vld [tilespmem:$0x280];
	_ =	sdelay $0x4  }
0x1cb: {  	v40 =	vshll.u32 v3, $0x1  }
0x1cc: {  	v3 =	vand.u32 $0x7, v3;
	v4 =	vand.u32 $0xFFFFFFF0, v40  }
0x1cd: {  	v3 =	vor.u32 v3, v4  }
0x1ce: {  	v4 =	vperm.xlane v3, v0;
	_ =	sdelay $0x1  }
0x1cf: {  	v3 =	vperm.xlane v3, v2;
	v4 =	vadd.s32 v1, v4;
	_ =	sdelay $0x1  }
0x1d0: {  	v3 =	vadd.s32 v1, v3;
	_ =	sdelay $0x2  }
0x1d1: {  	[tilespmem:s14], [sflag:$0x1] =	stream.indirect_vreg.gather [hbm4b:s3+s2], $0x80, v4, vm0, $0xb8;
	[tilespmem:$0x8400] =	vst v63  }
0x1d2: {  	_ = 	snop  }
0x1d3: {  	[tilespmem:s15], [sflag:$0x1] =	stream.indirect_vreg.gather [hbm4b:s3+s2], $0x80, v3, vm0, $0xb8;
	[tilespmem:$0x8400] =	vst v63  }
0x1d4: {  	v3 =	vld [tilespmem:$0x290];
	_ =	sdelay $0x4  }
0x1d5: {  	v41 =	vshll.u32 v3, $0x1  }
0x1d6: {  	v3 =	vand.u32 $0x7, v3;
	v4 =	vand.u32 $0xFFFFFFF0, v41  }
0x1d7: {  	v3 =	vor.u32 v3, v4  }
0x1d8: {  	v4 =	vperm.xlane v3, v0;
	_ =	sdelay $0x1  }
0x1d9: {  	v3 =	vperm.xlane v3, v2;
	v4 =	vadd.s32 v1, v4;
	_ =	sdelay $0x1  }
0x1da: {  	v3 =	vadd.s32 v1, v3;
	_ =	sdelay $0x2  }
0x1db: {  	[tilespmem:s16], [sflag:$0x1] =	stream.indirect_vreg.gather [hbm4b:s3+s2], $0x80, v4, vm0, $0xb8;
	[tilespmem:$0x8400] =	vst v63  }
0x1dc: {  	_ = 	snop  }
0x1dd: {  	[tilespmem:s17], [sflag:$0x1] =	stream.indirect_vreg.gather [hbm4b:s3+s2], $0x80, v3, vm0, $0xb8;
	[tilespmem:$0x8400] =	vst v63  }
0x1de: {  	v3 =	vld [tilespmem:$0x2A0];
	_ =	sdelay $0x4  }
0x1df: {  	v42 =	vshll.u32 v3, $0x1  }
0x1e0: {  	v3 =	vand.u32 $0x7, v3;
	v4 =	vand.u32 $0xFFFFFFF0, v42  }
0x1e1: {  	v3 =	vor.u32 v3, v4  }
0x1e2: {  	v4 =	vperm.xlane v3, v0;
	_ =	sdelay $0x1  }
0x1e3: {  	v3 =	vperm.xlane v3, v2;
	v4 =	vadd.s32 v1, v4;
	_ =	sdelay $0x1  }
0x1e4: {  	v3 =	vadd.s32 v1, v3;
	_ =	sdelay $0x2  }
0x1e5: {  	[tilespmem:s18], [sflag:$0x1] =	stream.indirect_vreg.gather [hbm4b:s3+s2], $0x80, v4, vm0, $0xb8;
	[tilespmem:$0x8400] =	vst v63  }
0x1e6: {  	_ = 	snop  }
0x1e7: {  	[tilespmem:s19], [sflag:$0x1] =	stream.indirect_vreg.gather [hbm4b:s3+s2], $0x80, v3, vm0, $0xb8;
	[tilespmem:$0x8400] =	vst v63  }
0x1e8: {  	v3 =	vld [tilespmem:$0x2B0];
	_ =	sdelay $0x4  }
0x1e9: {  	v43 =	vshll.u32 v3, $0x1  }
0x1ea: {  	v3 =	vand.u32 $0x7, v3;
	v4 =	vand.u32 $0xFFFFFFF0, v43  }
0x1eb: {  	v3 =	vor.u32 v3, v4  }
0x1ec: {  	v4 =	vperm.xlane v3, v0;
	_ =	sdelay $0x1  }
0x1ed: {  	v3 =	vperm.xlane v3, v2;
	v4 =	vadd.s32 v1, v4;
	_ =	sdelay $0x1  }
0x1ee: {  	v3 =	vadd.s32 v1, v3;
	_ =	sdelay $0x2  }
0x1ef: {  	[tilespmem:s20], [sflag:$0x1] =	stream.indirect_vreg.gather [hbm4b:s3+s2], $0x80, v4, vm0, $0xb8;
	[tilespmem:$0x8400] =	vst v63  }
0x1f0: {  	_ = 	snop  }
0x1f1: {  	[tilespmem:s21], [sflag:$0x1] =	stream.indirect_vreg.gather [hbm4b:s3+s2], $0x80, v3, vm0, $0xb8;
	[tilespmem:$0x8400] =	vst v63  }
0x1f2: {  	v3 =	vld [tilespmem:$0x2C0];
	_ =	sdelay $0x4  }
0x1f3: {  	v44 =	vshll.u32 v3, $0x1  }
0x1f4: {  	v3 =	vand.u32 $0x7, v3;
	v4 =	vand.u32 $0xFFFFFFF0, v44  }
0x1f5: {  	v3 =	vor.u32 v3, v4  }
0x1f6: {  	v4 =	vperm.xlane v3, v0;
	_ =	sdelay $0x1  }
0x1f7: {  	v3 =	vperm.xlane v3, v2;
	v4 =	vadd.s32 v1, v4;
	_ =	sdelay $0x1  }
0x1f8: {  	v3 =	vadd.s32 v1, v3;
	_ =	sdelay $0x2  }
0x1f9: {  	[tilespmem:s22], [sflag:$0x1] =	stream.indirect_vreg.gather [hbm4b:s3+s2], $0x80, v4, vm0, $0xb8;
	[tilespmem:$0x8400] =	vst v63  }
0x1fa: {  	_ = 	snop  }
0x1fb: {  	[tilespmem:s23], [sflag:$0x1] =	stream.indirect_vreg.gather [hbm4b:s3+s2], $0x80, v3, vm0, $0xb8;
	[tilespmem:$0x8400] =	vst v63  }
0x1fc: {  	v3 =	vld [tilespmem:$0x2D0];
	_ =	sdelay $0x4  }
0x1fd: {  	v45 =	vshll.u32 v3, $0x1  }
0x1fe: {  	v3 =	vand.u32 $0x7, v3;
	v4 =	vand.u32 $0xFFFFFFF0, v45  }
0x1ff: {  	v3 =	vor.u32 v3, v4  }
0x200: {  	v4 =	vperm.xlane v3, v0;
	_ =	sdelay $0x1  }
0x201: {  	v3 =	vperm.xlane v3, v2;
	v4 =	vadd.s32 v1, v4;
	_ =	sdelay $0x1  }
0x202: {  	v3 =	vadd.s32 v1, v3;
	_ =	sdelay $0x2  }
0x203: {  	[tilespmem:s24], [sflag:$0x1] =	stream.indirect_vreg.gather [hbm4b:s3+s2], $0x80, v4, vm0, $0xb8;
	[tilespmem:$0x8400] =	vst v63  }
0x204: {  	_ = 	snop  }
0x205: {  	[tilespmem:s25], [sflag:$0x1] =	stream.indirect_vreg.gather [hbm4b:s3+s2], $0x80, v3, vm0, $0xb8;
	[tilespmem:$0x8400] =	vst v63  }
0x206: {  	v3 =	vld [tilespmem:$0x2E0];
	_ =	sdelay $0x4  }
0x207: {  	v46 =	vshll.u32 v3, $0x1  }
0x208: {  	v3 =	vand.u32 $0x7, v3;
	v4 =	vand.u32 $0xFFFFFFF0, v46  }
0x209: {  	v3 =	vor.u32 v3, v4  }
0x20a: {  	v4 =	vperm.xlane v3, v0;
	_ =	sdelay $0x1  }
0x20b: {  	v3 =	vperm.xlane v3, v2;
	v4 =	vadd.s32 v1, v4;
	_ =	sdelay $0x1  }
0x20c: {  	v3 =	vadd.s32 v1, v3;
	_ =	sdelay $0x2  }
0x20d: {  	[tilespmem:s26], [sflag:$0x1] =	stream.indirect_vreg.gather [hbm4b:s3+s2], $0x80, v4, vm0, $0xb8;
	[tilespmem:$0x8400] =	vst v63  }
0x20e: {  	_ = 	snop  }
0x20f: {  	[tilespmem:s28], [sflag:$0x1] =	stream.indirect_vreg.gather [hbm4b:s3+s2], $0x80, v3, vm0, $0xb8;
	[tilespmem:$0x8400] =	vst v63  }
0x210: {  	v3 =	vld [tilespmem:$0x2F0];
	_ =	sdelay $0x4  }
0x211: {  	v47 =	vshll.u32 v3, $0x1  }
0x212: {  	v3 =	vand.u32 $0x7, v3;
	v4 =	vand.u32 $0xFFFFFFF0, v47  }
0x213: {  	v3 =	vor.u32 v3, v4  }
0x214: {  	v4 =	vperm.xlane v3, v0;
	_ =	sdelay $0x1  }
0x215: {  	v3 =	vperm.xlane v3, v2;
	v4 =	vadd.s32 v1, v4;
	_ =	sdelay $0x1  }
0x216: {  	v3 =	vadd.s32 v1, v3;
	_ =	sdelay $0x2  }
0x217: {  	[tilespmem:s29], [sflag:$0x1] =	stream.indirect_vreg.gather [hbm4b:s3+s2], $0x80, v4, vm0, $0xb8;
	[tilespmem:$0x8400] =	vst v63  }
0x218: {  	_ = 	snop  }
0x219: {  	[tilespmem:s30], [sflag:$0x1] =	stream.indirect_vreg.gather [hbm4b:s3+s2], $0x80, v3, vm0, $0xb8;
	[tilespmem:$0x8400] =	vst v63  }
0x21a: {  	_ =	swait.ge [sflag:s31], $0x8000  }
0x21b: {  	[sflag:s31] =	ssyncset.done $0x0  }
0x21c: {  	[sflag:s31] =	ssyncadd.s32 $0xFFFF8000  }
0x21d: {  	[hbm4b:s9+s2] =	stream.linear.scatter [tilespmem:s14], [sflag:$0x2], $0x8000, $0x38;
	[tilespmem:$0x8400] =	vst v63  }
0x21e: {  	_ =	swait.ge [sflag:s13], $0x8000  }
0x21f: {  	[sflag:s13] =	ssyncset.done $0x0  }
0x220: {  	[sflag:s13] =	ssyncadd.s32 $0xFFFF8000  }
0x221: {  	v3 =	vld [tilespmem:$0x300];
	_ =	sdelay $0x4  }
0x222: {  	v48 =	vshll.u32 v3, $0x1  }
0x223: {  	v3 =	vand.u32 $0x7, v3;
	v4 =	vand.u32 $0xFFFFFFF0, v48  }
0x224: {  	v3 =	vor.u32 v3, v4  }
0x225: {  	v4 =	vperm.xlane v3, v0;
	_ =	sdelay $0x1  }
0x226: {  	v3 =	vperm.xlane v3, v2;
	v4 =	vadd.s32 v1, v4;
	_ =	sdelay $0x1  }
0x227: {  	v3 =	vadd.s32 v1, v3;
	_ =	sdelay $0x2  }
0x228: {  	[tilespmem:s14], [sflag:$0x1] =	stream.indirect_vreg.gather [hbm4b:s3+s2], $0x80, v4, vm0, $0xb8;
	[tilespmem:$0x8400] =	vst v63  }
0x229: {  	_ = 	snop  }
0x22a: {  	[tilespmem:s15], [sflag:$0x1] =	stream.indirect_vreg.gather [hbm4b:s3+s2], $0x80, v3, vm0, $0xb8;
	[tilespmem:$0x8400] =	vst v63  }
0x22b: {  	v3 =	vld [tilespmem:$0x310];
	_ =	sdelay $0x4  }
0x22c: {  	v49 =	vshll.u32 v3, $0x1  }
0x22d: {  	v3 =	vand.u32 $0x7, v3;
	v4 =	vand.u32 $0xFFFFFFF0, v49  }
0x22e: {  	v3 =	vor.u32 v3, v4  }
0x22f: {  	v4 =	vperm.xlane v3, v0;
	_ =	sdelay $0x1  }
0x230: {  	v3 =	vperm.xlane v3, v2;
	v4 =	vadd.s32 v1, v4;
	_ =	sdelay $0x1  }
0x231: {  	v3 =	vadd.s32 v1, v3;
	_ =	sdelay $0x2  }
0x232: {  	[tilespmem:s16], [sflag:$0x1] =	stream.indirect_vreg.gather [hbm4b:s3+s2], $0x80, v4, vm0, $0xb8;
	[tilespmem:$0x8400] =	vst v63  }
0x233: {  	_ = 	snop  }
0x234: {  	[tilespmem:s17], [sflag:$0x1] =	stream.indirect_vreg.gather [hbm4b:s3+s2], $0x80, v3, vm0, $0xb8;
	[tilespmem:$0x8400] =	vst v63  }
0x235: {  	v3 =	vld [tilespmem:$0x320];
	_ =	sdelay $0x4  }
0x236: {  	v50 =	vshll.u32 v3, $0x1  }
0x237: {  	v3 =	vand.u32 $0x7, v3;
	v4 =	vand.u32 $0xFFFFFFF0, v50  }
0x238: {  	v3 =	vor.u32 v3, v4  }
0x239: {  	v4 =	vperm.xlane v3, v0;
	_ =	sdelay $0x1  }
0x23a: {  	v3 =	vperm.xlane v3, v2;
	v4 =	vadd.s32 v1, v4;
	_ =	sdelay $0x1  }
0x23b: {  	v3 =	vadd.s32 v1, v3;
	_ =	sdelay $0x2  }
0x23c: {  	[tilespmem:s18], [sflag:$0x1] =	stream.indirect_vreg.gather [hbm4b:s3+s2], $0x80, v4, vm0, $0xb8;
	[tilespmem:$0x8400] =	vst v63  }
0x23d: {  	_ = 	snop  }
0x23e: {  	[tilespmem:s19], [sflag:$0x1] =	stream.indirect_vreg.gather [hbm4b:s3+s2], $0x80, v3, vm0, $0xb8;
	[tilespmem:$0x8400] =	vst v63  }
0x23f: {  	v3 =	vld [tilespmem:$0x330];
	_ =	sdelay $0x4  }
0x240: {  	v51 =	vshll.u32 v3, $0x1  }
0x241: {  	v3 =	vand.u32 $0x7, v3;
	v4 =	vand.u32 $0xFFFFFFF0, v51  }
0x242: {  	v3 =	vor.u32 v3, v4  }
0x243: {  	v4 =	vperm.xlane v3, v0;
	_ =	sdelay $0x1  }
0x244: {  	v3 =	vperm.xlane v3, v2;
	v4 =	vadd.s32 v1, v4;
	_ =	sdelay $0x1  }
0x245: {  	v3 =	vadd.s32 v1, v3;
	_ =	sdelay $0x2  }
0x246: {  	[tilespmem:s20], [sflag:$0x1] =	stream.indirect_vreg.gather [hbm4b:s3+s2], $0x80, v4, vm0, $0xb8;
	[tilespmem:$0x8400] =	vst v63  }
0x247: {  	_ = 	snop  }
0x248: {  	[tilespmem:s21], [sflag:$0x1] =	stream.indirect_vreg.gather [hbm4b:s3+s2], $0x80, v3, vm0, $0xb8;
	[tilespmem:$0x8400] =	vst v63  }
0x249: {  	v3 =	vld [tilespmem:$0x340];
	_ =	sdelay $0x4  }
0x24a: {  	v52 =	vshll.u32 v3, $0x1  }
0x24b: {  	v3 =	vand.u32 $0x7, v3;
	v4 =	vand.u32 $0xFFFFFFF0, v52  }
0x24c: {  	v3 =	vor.u32 v3, v4  }
0x24d: {  	v4 =	vperm.xlane v3, v0;
	_ =	sdelay $0x1  }
0x24e: {  	v3 =	vperm.xlane v3, v2;
	v4 =	vadd.s32 v1, v4;
	_ =	sdelay $0x1  }
0x24f: {  	v3 =	vadd.s32 v1, v3;
	_ =	sdelay $0x2  }
0x250: {  	[tilespmem:s22], [sflag:$0x1] =	stream.indirect_vreg.gather [hbm4b:s3+s2], $0x80, v4, vm0, $0xb8;
	[tilespmem:$0x8400] =	vst v63  }
0x251: {  	_ = 	snop  }
0x252: {  	[tilespmem:s23], [sflag:$0x1] =	stream.indirect_vreg.gather [hbm4b:s3+s2], $0x80, v3, vm0, $0xb8;
	[tilespmem:$0x8400] =	vst v63  }
0x253: {  	v3 =	vld [tilespmem:$0x350];
	_ =	sdelay $0x4  }
0x254: {  	v53 =	vshll.u32 v3, $0x1  }
0x255: {  	v3 =	vand.u32 $0x7, v3;
	v4 =	vand.u32 $0xFFFFFFF0, v53  }
0x256: {  	v3 =	vor.u32 v3, v4  }
0x257: {  	v4 =	vperm.xlane v3, v0;
	_ =	sdelay $0x1  }
0x258: {  	v3 =	vperm.xlane v3, v2;
	v4 =	vadd.s32 v1, v4;
	_ =	sdelay $0x1  }
0x259: {  	v3 =	vadd.s32 v1, v3;
	_ =	sdelay $0x2  }
0x25a: {  	[tilespmem:s24], [sflag:$0x1] =	stream.indirect_vreg.gather [hbm4b:s3+s2], $0x80, v4, vm0, $0xb8;
	[tilespmem:$0x8400] =	vst v63  }
0x25b: {  	_ = 	snop  }
0x25c: {  	[tilespmem:s25], [sflag:$0x1] =	stream.indirect_vreg.gather [hbm4b:s3+s2], $0x80, v3, vm0, $0xb8;
	[tilespmem:$0x8400] =	vst v63  }
0x25d: {  	v3 =	vld [tilespmem:$0x360];
	_ =	sdelay $0x4  }
0x25e: {  	v54 =	vshll.u32 v3, $0x1  }
0x25f: {  	v3 =	vand.u32 $0x7, v3;
	v4 =	vand.u32 $0xFFFFFFF0, v54  }
0x260: {  	v3 =	vor.u32 v3, v4  }
0x261: {  	v4 =	vperm.xlane v3, v0;
	_ =	sdelay $0x1  }
0x262: {  	v3 =	vperm.xlane v3, v2;
	v4 =	vadd.s32 v1, v4;
	_ =	sdelay $0x1  }
0x263: {  	v3 =	vadd.s32 v1, v3;
	_ =	sdelay $0x2  }
0x264: {  	[tilespmem:s26], [sflag:$0x1] =	stream.indirect_vreg.gather [hbm4b:s3+s2], $0x80, v4, vm0, $0xb8;
	[tilespmem:$0x8400] =	vst v63  }
0x265: {  	_ = 	snop  }
0x266: {  	[tilespmem:s28], [sflag:$0x1] =	stream.indirect_vreg.gather [hbm4b:s3+s2], $0x80, v3, vm0, $0xb8;
	[tilespmem:$0x8400] =	vst v63  }
0x267: {  	v3 =	vld [tilespmem:$0x370];
	_ =	sdelay $0x4  }
0x268: {  	v55 =	vshll.u32 v3, $0x1  }
0x269: {  	v3 =	vand.u32 $0x7, v3;
	v4 =	vand.u32 $0xFFFFFFF0, v55  }
0x26a: {  	v3 =	vor.u32 v3, v4  }
0x26b: {  	v4 =	vperm.xlane v3, v0;
	_ =	sdelay $0x1  }
0x26c: {  	v3 =	vperm.xlane v3, v2;
	v4 =	vadd.s32 v1, v4;
	_ =	sdelay $0x1  }
0x26d: {  	v3 =	vadd.s32 v1, v3;
	_ =	sdelay $0x2  }
0x26e: {  	[tilespmem:s29], [sflag:$0x1] =	stream.indirect_vreg.gather [hbm4b:s3+s2], $0x80, v4, vm0, $0xb8;
	[tilespmem:$0x8400] =	vst v63  }
0x26f: {  	_ = 	snop  }
0x270: {  	[tilespmem:s30], [sflag:$0x1] =	stream.indirect_vreg.gather [hbm4b:s3+s2], $0x80, v3, vm0, $0xb8;
	[tilespmem:$0x8400] =	vst v63  }
0x271: {  	_ =	swait.ge [sflag:s31], $0x8000  }
0x272: {  	[sflag:s31] =	ssyncset.done $0x0  }
0x273: {  	[sflag:s31] =	ssyncadd.s32 $0xFFFF8000  }
0x274: {  	[hbm4b:s10+s2] =	stream.linear.scatter [tilespmem:s14], [sflag:$0x2], $0x8000, $0x38;
	[tilespmem:$0x8400] =	vst v63  }
0x275: {  	_ =	swait.ge [sflag:s13], $0x8000  }
0x276: {  	[sflag:s13] =	ssyncset.done $0x0  }
0x277: {  	[sflag:s13] =	ssyncadd.s32 $0xFFFF8000  }
0x278: {  	v3 =	vld [tilespmem:$0x380];
	_ =	sdelay $0x4  }
0x279: {  	v56 =	vshll.u32 v3, $0x1  }
0x27a: {  	v3 =	vand.u32 $0x7, v3;
	v4 =	vand.u32 $0xFFFFFFF0, v56  }
0x27b: {  	v3 =	vor.u32 v3, v4  }
0x27c: {  	v4 =	vperm.xlane v3, v0;
	_ =	sdelay $0x1  }
0x27d: {  	v3 =	vperm.xlane v3, v2;
	v4 =	vadd.s32 v1, v4;
	_ =	sdelay $0x1  }
0x27e: {  	v3 =	vadd.s32 v1, v3;
	_ =	sdelay $0x2  }
0x27f: {  	[tilespmem:s14], [sflag:$0x1] =	stream.indirect_vreg.gather [hbm4b:s3+s2], $0x80, v4, vm0, $0xb8;
	[tilespmem:$0x8400] =	vst v63  }
0x280: {  	_ = 	snop  }
0x281: {  	[tilespmem:s15], [sflag:$0x1] =	stream.indirect_vreg.gather [hbm4b:s3+s2], $0x80, v3, vm0, $0xb8;
	[tilespmem:$0x8400] =	vst v63  }
0x282: {  	v3 =	vld [tilespmem:$0x390];
	_ =	sdelay $0x4  }
0x283: {  	v57 =	vshll.u32 v3, $0x1  }
0x284: {  	v3 =	vand.u32 $0x7, v3;
	v4 =	vand.u32 $0xFFFFFFF0, v57  }
0x285: {  	v3 =	vor.u32 v3, v4  }
0x286: {  	v4 =	vperm.xlane v3, v0;
	_ =	sdelay $0x1  }
0x287: {  	v3 =	vperm.xlane v3, v2;
	v4 =	vadd.s32 v1, v4;
	_ =	sdelay $0x1  }
0x288: {  	v3 =	vadd.s32 v1, v3;
	_ =	sdelay $0x2  }
0x289: {  	[tilespmem:s16], [sflag:$0x1] =	stream.indirect_vreg.gather [hbm4b:s3+s2], $0x80, v4, vm0, $0xb8;
	[tilespmem:$0x8400] =	vst v63  }
0x28a: {  	_ = 	snop  }
0x28b: {  	[tilespmem:s17], [sflag:$0x1] =	stream.indirect_vreg.gather [hbm4b:s3+s2], $0x80, v3, vm0, $0xb8;
	[tilespmem:$0x8400] =	vst v63  }
0x28c: {  	v3 =	vld [tilespmem:$0x3A0];
	_ =	sdelay $0x4  }
0x28d: {  	v58 =	vshll.u32 v3, $0x1  }
0x28e: {  	v3 =	vand.u32 $0x7, v3;
	v4 =	vand.u32 $0xFFFFFFF0, v58  }
0x28f: {  	v3 =	vor.u32 v3, v4  }
0x290: {  	v4 =	vperm.xlane v3, v0;
	_ =	sdelay $0x1  }
0x291: {  	v3 =	vperm.xlane v3, v2;
	v4 =	vadd.s32 v1, v4;
	_ =	sdelay $0x1  }
0x292: {  	v3 =	vadd.s32 v1, v3;
	_ =	sdelay $0x2  }
0x293: {  	[tilespmem:s18], [sflag:$0x1] =	stream.indirect_vreg.gather [hbm4b:s3+s2], $0x80, v4, vm0, $0xb8;
	[tilespmem:$0x8400] =	vst v63  }
0x294: {  	_ = 	snop  }
0x295: {  	[tilespmem:s19], [sflag:$0x1] =	stream.indirect_vreg.gather [hbm4b:s3+s2], $0x80, v3, vm0, $0xb8;
	[tilespmem:$0x8400] =	vst v63  }
0x296: {  	v3 =	vld [tilespmem:$0x3B0];
	_ =	sdelay $0x4  }
0x297: {  	v59 =	vshll.u32 v3, $0x1  }
0x298: {  	v3 =	vand.u32 $0x7, v3;
	v4 =	vand.u32 $0xFFFFFFF0, v59  }
0x299: {  	v3 =	vor.u32 v3, v4  }
0x29a: {  	v4 =	vperm.xlane v3, v0;
	_ =	sdelay $0x1  }
0x29b: {  	v3 =	vperm.xlane v3, v2;
	v4 =	vadd.s32 v1, v4;
	_ =	sdelay $0x1  }
0x29c: {  	v3 =	vadd.s32 v1, v3;
	_ =	sdelay $0x2  }
0x29d: {  	[tilespmem:s20], [sflag:$0x1] =	stream.indirect_vreg.gather [hbm4b:s3+s2], $0x80, v4, vm0, $0xb8;
	[tilespmem:$0x8400] =	vst v63  }
0x29e: {  	_ = 	snop  }
0x29f: {  	[tilespmem:s21], [sflag:$0x1] =	stream.indirect_vreg.gather [hbm4b:s3+s2], $0x80, v3, vm0, $0xb8;
	[tilespmem:$0x8400] =	vst v63  }
0x2a0: {  	v3 =	vld [tilespmem:$0x3C0];
	_ =	sdelay $0x4  }
0x2a1: {  	v60 =	vshll.u32 v3, $0x1  }
0x2a2: {  	v3 =	vand.u32 $0x7, v3;
	v4 =	vand.u32 $0xFFFFFFF0, v60  }
0x2a3: {  	v3 =	vor.u32 v3, v4  }
0x2a4: {  	v4 =	vperm.xlane v3, v0;
	_ =	sdelay $0x1  }
0x2a5: {  	v3 =	vperm.xlane v3, v2;
	v4 =	vadd.s32 v1, v4;
	_ =	sdelay $0x1  }
0x2a6: {  	v3 =	vadd.s32 v1, v3;
	_ =	sdelay $0x2  }
0x2a7: {  	[tilespmem:s22], [sflag:$0x1] =	stream.indirect_vreg.gather [hbm4b:s3+s2], $0x80, v4, vm0, $0xb8;
	[tilespmem:$0x8400] =	vst v63  }
0x2a8: {  	_ = 	snop  }
0x2a9: {  	[tilespmem:s23], [sflag:$0x1] =	stream.indirect_vreg.gather [hbm4b:s3+s2], $0x80, v3, vm0, $0xb8;
	[tilespmem:$0x8400] =	vst v63  }
0x2aa: {  	v3 =	vld [tilespmem:$0x3D0];
	_ =	sdelay $0x4  }
0x2ab: {  	v61 =	vshll.u32 v3, $0x1  }
0x2ac: {  	v3 =	vand.u32 $0x7, v3;
	v4 =	vand.u32 $0xFFFFFFF0, v61  }
0x2ad: {  	v3 =	vor.u32 v3, v4  }
0x2ae: {  	v4 =	vperm.xlane v3, v0;
	_ =	sdelay $0x1  }
0x2af: {  	v3 =	vperm.xlane v3, v2;
	v4 =	vadd.s32 v1, v4;
	_ =	sdelay $0x1  }
0x2b0: {  	v3 =	vadd.s32 v1, v3;
	_ =	sdelay $0x2  }
0x2b1: {  	[tilespmem:s24], [sflag:$0x1] =	stream.indirect_vreg.gather [hbm4b:s3+s2], $0x80, v4, vm0, $0xb8;
	[tilespmem:$0x8400] =	vst v63  }
0x2b2: {  	_ = 	snop  }
0x2b3: {  	[tilespmem:s25], [sflag:$0x1] =	stream.indirect_vreg.gather [hbm4b:s3+s2], $0x80, v3, vm0, $0xb8;
	[tilespmem:$0x8400] =	vst v63  }
0x2b4: {  	v3 =	vld [tilespmem:$0x3E0];
	_ =	sdelay $0x4  }
0x2b5: {  	v62 =	vshll.u32 v3, $0x1  }
0x2b6: {  	v3 =	vand.u32 $0x7, v3;
	v4 =	vand.u32 $0xFFFFFFF0, v62  }
0x2b7: {  	v3 =	vor.u32 v3, v4  }
0x2b8: {  	v4 =	vperm.xlane v3, v0;
	_ =	sdelay $0x1  }
0x2b9: {  	v3 =	vperm.xlane v3, v2;
	v4 =	vadd.s32 v1, v4;
	_ =	sdelay $0x1  }
0x2ba: {  	v3 =	vadd.s32 v1, v3;
	_ =	sdelay $0x2  }
0x2bb: {  	[tilespmem:s26], [sflag:$0x1] =	stream.indirect_vreg.gather [hbm4b:s3+s2], $0x80, v4, vm0, $0xb8;
	[tilespmem:$0x8400] =	vst v63  }
0x2bc: {  	_ = 	snop  }
0x2bd: {  	[tilespmem:s28], [sflag:$0x1] =	stream.indirect_vreg.gather [hbm4b:s3+s2], $0x80, v3, vm0, $0xb8;
	[tilespmem:$0x8400] =	vst v63  }
0x2be: {  	v3 =	vld [tilespmem:$0x3F0];
	_ =	sdelay $0x4  }
0x2bf: {  	v63 =	vshll.u32 v3, $0x1  }
0x2c0: {  	v3 =	vand.u32 $0x7, v3;
	v4 =	vand.u32 $0xFFFFFFF0, v63  }
0x2c1: {  	v3 =	vor.u32 v3, v4  }
0x2c2: {  	v4 =	vperm.xlane v3, v0;
	_ =	sdelay $0x1  }
0x2c3: {  	v3 =	vperm.xlane v3, v2;
	v4 =	vadd.s32 v1, v4;
	_ =	sdelay $0x1  }
0x2c4: {  	v3 =	vadd.s32 v1, v3;
	_ =	sdelay $0x2  }
0x2c5: {  	[tilespmem:s29], [sflag:$0x1] =	stream.indirect_vreg.gather [hbm4b:s3+s2], $0x80, v4, vm0, $0xb8;
	[tilespmem:$0x8400] =	vst v63  }
0x2c6: {  	_ = 	snop  }
0x2c7: {  	[tilespmem:s30], [sflag:$0x1] =	stream.indirect_vreg.gather [hbm4b:s3+s2], $0x80, v3, vm0, $0xb8;
	[tilespmem:$0x8400] =	vst v63  }
0x2c8: {  	_ =	swait.ge [sflag:s31], $0x8000  }
0x2c9: {  	p0 =	sne.s32 s12, $0x1;
	[sflag:s31] =	ssyncset.done $0x0  }
.Ltmp0:
0x2ca: {  	[sflag:s31] =	ssyncadd.s32 $0xFFFF8000;
	(pc) =	sbr.rel @p0 .LBB2_1-.Ltmp0, $4  }
0x2cb: {  	[hbm4b:s11+s2] =	stream.linear.scatter [tilespmem:s14], [sflag:$0x2], $0x8000, $0x38;
	[tilespmem:$0x8400] =	vst v63  }
0x2cc: {  	_ =	swait.ge [sflag:s13], $0x8000  }
0x2cd: {  	[sflag:s13] =	ssyncset.done $0x0  }
0x2ce: {  	s12 =	sadd.s32 $0xFFFFFFFF, s12;
	[sflag:s13] =	ssyncadd.s32 $0xFFFF8000  }
0x2cf: {  	_ =	sfence.sel $0x180000  }
0x2d0: {  	[bflag:$0x0] =	sbarrier.arrive $0xFFFF  }
0x2d1: {  	_ =	strace $0x90000047  }
0x2d2: {  	[bflag:$0x2] =	sbarrier.arrive $0xFFFF  }
0x2d3: {  	p0 =	sne.s32 s1, $0x0;
	s0 =	rddreg [dreg:$0x3]  }
0x2d4: {  	s0 =	sadd.s32 @!p0 $0x100000, s0  }
0x2d5: {  	[sflag:s0] =	ssyncadd.tile.s32 @!p0 $0x1;
	_ =	shalt  }
.Lfunc_end2:
_tile_overlayer_lowered:
.L_overlay_start_2:
0x2d6: {  	(tag) =	ssettag $0x2  }
0x2d7: {  	s0 =	rddreg [dreg:$0x0];
	s2 =	stileid.u32  }
0x2d8: {  	s1 =	rddreg [dreg:$0x1];
	p0 =	sne.s32 s2, $0x0  }
0x2d9: {  	s3 =	rddreg [dreg:$0x2];
	[bflag:$0x3] =	sbarrier.arrive $0xFFFF;
	s2 =	simm.s32 @!p0 $0x1C02  }
0x2da: {  	[timem:s3], [sflag:s2] =	dma.local @!p0 [hbm:s0], s1  }
0x2db: {  	s0 =	simm.s32 @!p0 $0x2  }
0x2dc: {  	_ =	swait.ge @!p0 [sflag:s0], s1  }
0x2dd: {  	s1 =	ssub.s32 @!p0 $0x0, s1;
	[sflag:s0] =	ssyncset.done @!p0 $0x0  }
0x2de: {  	[sflag:s0] =	ssyncadd.s32 @!p0 s1  }
0x2df: {  	[bflag:$0x3] =	sbarrier.arrive $0xFFFF  }
0x2e0: {  	_ =	shalt  }

</sc_bundles>
